<compile_context>
chip_gen: v7x
topology: tpu7x:2x2x1
jax: 0.10.2.dev20260603
libtpu: 0.0.44.dev20260713+nightly
codegen_flags: <defaults>
</compile_context>

<pallas_src>
import functools

import jax
import jax.numpy as jnp
from jax import lax
from jax.experimental import pallas as pl
from jax.experimental.pallas import tpu as pltpu
from jax.experimental.pallas import tpu_sc as plsc

B = 16384
D = 32
BB = 2048


def _sc_gather4(tables, ids, scalars):
    info = plsc.get_sparse_core_info()
    nw = info.num_cores * info.num_subcores
    b_per_w = B // nw
    mesh = plsc.VectorSubcoreMesh(core_axis_name="c", subcore_axis_name="s")

    @functools.partial(
        pl.kernel,
        mesh=mesh,
        out_type=[jax.ShapeDtypeStruct((B, 4 * D), jnp.float32),
                  jax.ShapeDtypeStruct((8, B), jnp.float32)],
        scratch_types=[
            pltpu.VMEM((4, b_per_w), jnp.int32),
            pltpu.VMEM((4, b_per_w, D), jnp.float32),
            pltpu.SemaphoreType.DMA,
            pltpu.SemaphoreType.DMA,
            pltpu.SemaphoreType.DMA,
        ],
        compiler_params=pltpu.CompilerParams(use_tc_tiling_on_sc=False),
    )
    def gather_kernel(t0, t1, t2, t3, i0, i1, i2, i3, s0, s1, s2, s3,
                      e_out, st_out, idx_v, rows_v, sem_i, sem_g, sem_w):
        wid = lax.axis_index("s") * info.num_cores + lax.axis_index("c")
        base = wid * b_per_w
        tabs = (t0, t1, t2, t3)
        idx_copies = [
            pltpu.async_copy(idx.at[pl.ds(base, b_per_w)], idx_v.at[t],
                             sem_i)
            for t, idx in enumerate((i0, i1, i2, i3))
        ]
        scal_copies = [
            pltpu.async_copy(s.at[pl.ds(base, b_per_w)],
                             st_out.at[j, pl.ds(base, b_per_w)], sem_w)
            for j, s in enumerate((s0, s1, s2, s3))
        ]
        gathers = []
        for t in range(4):
            idx_copies[t].wait()
            gathers.append(
                pltpu.async_copy(tabs[t].at[idx_v.at[t]], rows_v.at[t],
                                 sem_g))
        writes = []
        for t in range(4):
            gathers[t].wait()
            writes.append(
                pltpu.async_copy(
                    rows_v.at[t],
                    e_out.at[pl.ds(base, b_per_w), pl.ds(t * D, D)],
                    sem_w))
        for w in scal_copies + writes:
            w.wait()

    return gather_kernel(*tables, *ids, *scalars)


def _dot(a, b):
    return jax.lax.dot_general(a, b, (((1,), (0,)), ((), ())),
                               preferred_element_type=jnp.float32)


def _bdot(a, b):
    bf16 = jnp.bfloat16
    return _dot(a.astype(bf16), b.astype(bf16))


def _manifest_body(manifest, W_manifest, b_manifest, out):
    zeros = jnp.zeros((512, 128 - D), jnp.float32)
    w = jnp.concatenate([W_manifest[...], zeros], axis=1)
    bz = jnp.zeros((1, 128 - D), jnp.float32)
    b = jnp.concatenate([b_manifest[...], bz], axis=1)
    out[...] = (_bdot(manifest[...], w) + b).astype(jnp.bfloat16)


def _manifest_proj(manifest, W_manifest, b_manifest, interpret=False):
    grid = (B // BB,)
    return pl.pallas_call(
        _manifest_body,
        grid=grid,
        in_specs=[
            pl.BlockSpec((BB, 512), lambda i: (i, 0)),
            pl.BlockSpec((512, D), lambda i: (0, 0)),
            pl.BlockSpec((1, D), lambda i: (0, 0)),
        ],
        out_specs=pl.BlockSpec((BB, 128), lambda i: (i, 0)),
        out_shape=jax.ShapeDtypeStruct((B, 128), jnp.bfloat16),
        compiler_params=pltpu.CompilerParams(
            dimension_semantics=("arbitrary",)),
        interpret=interpret,
    )(manifest, W_manifest, b_manifest.reshape(1, D))


def _mlp_body(scalT_f, scalT_b, m_emb, emb,
              W_int, b_int, W1, W1sel, W1man, b1, W2, b2, W3, b3, out):
    eps = jnp.float32(1e-8)
    w1 = W1[...]

    def slot(k):
        return w1[k * D:(k + 1) * D, :]

    wi = W_int[...]
    bi = b_int[...]

    acc = _bdot(emb[...], W1sel[...])
    acc = acc + _bdot(m_emb[...], W1man[...])
    s1, s2, s6, s7 = slot(1), slot(2), slot(6), slot(7)
    v = jnp.concatenate(
        [_dot(wi, s1), _dot(wi, s2), _dot(wi, s6), _dot(wi, s7)], axis=0)
    vals = scalT_b[...][:4, :]
    fullv = scalT_f[...][:4, :]
    mn = jnp.min(fullv, axis=1, keepdims=True)
    mx = jnp.max(fullv, axis=1, keepdims=True)
    nn = (vals - mn) / (mx - mn + eps)
    acc = acc + jax.lax.dot_general(
        nn, v, (((0,), (0,)), ((), ())),
        preferred_element_type=jnp.float32)
    acc = acc + _dot(bi, s1 + s2 + s6 + s7)
    acc = acc + b1[...]

    h1 = jnp.maximum(acc, 0.0)
    h2 = jnp.maximum(_dot(h1, W2[...]) + b2[...], 0.0)
    res = _dot(h2, W3[...]) + b3[...]
    out[...] = res.reshape(BB)


def _mlp(scalT, m_emb, emb,
         W_int, b_int, W1, W1sel, W1man, b1, W2, b2, W3, b3,
         interpret=False):
    grid = (B // BB,)
    full = lambda shape: pl.BlockSpec(shape, lambda i: tuple([0] * len(shape)))
    in_specs = [
        full((8, B)),
        pl.BlockSpec((8, BB), lambda i: (0, i)),
        pl.BlockSpec((BB, 128), lambda i: (i, 0)),
        pl.BlockSpec((BB, 128), lambda i: (i, 0)),
        full((1, D)), full((1, D)),
        full((9 * D, 256)), full((4 * D, 256)), full((4 * D, 256)),
        full((1, 256)),
        full((256, 64)), full((1, 64)),
        full((64, 1)), full((1, 1)),
    ]
    return pl.pallas_call(
        _mlp_body,
        grid=grid,
        in_specs=in_specs,
        out_specs=pl.BlockSpec((BB,), lambda i: (i,)),
        out_shape=jax.ShapeDtypeStruct((B,), jnp.float32),
        compiler_params=pltpu.CompilerParams(
            dimension_semantics=("arbitrary",)),
        interpret=interpret,
    )(scalT, scalT, m_emb, emb,
      W_int, b_int.reshape(1, D),
      W1, W1sel, W1man, b1.reshape(1, 256), W2, b2.reshape(1, 64),
      W3, b3.reshape(1, 1))


def kernel(pod_id, pod_cpu, pod_mem, pod_location, pod_manifest,
           template_resource_id, template_cpu, template_mem,
           template_location, pod_table, template_table, pod_loc_table,
           template_loc_table, W_manifest, b_manifest, W_int, b_int,
           W1, b1, W2, b2, W3, b3):
    i32 = jnp.int32
    bf16 = jnp.bfloat16
    f32 = jnp.float32
    W1sel = jnp.concatenate(
        [W1[0 * D:1 * D], W1[3 * D:4 * D], W1[5 * D:6 * D], W1[8 * D:9 * D]],
        axis=0)
    W1man = jnp.pad(W1[4 * D:5 * D], ((0, 128 - D), (0, 0)))

    m_emb = _manifest_proj(pod_manifest, W_manifest, b_manifest)
    emb, scalT = _sc_gather4(
        (pod_table, pod_loc_table, template_table, template_loc_table),
        (pod_id.astype(i32), pod_location.astype(i32),
         template_resource_id.astype(i32), template_location.astype(i32)),
        (pod_cpu, pod_mem, template_cpu, template_mem))
    out = _mlp(scalT, m_emb, emb,
               W_int, b_int, W1, W1sel, W1man, b1, W2, b2, W3, b3)
    return out.reshape(B, 1)

# --- scband reference (transcript-rebuilt; emitter-appended) ---
"""Pipeline reference for scband-basic-ranker-model-32349693673901 (READ-ONLY COPY).

The authoritative reference and input builder live on the scoring server;
editing this copy changes nothing except your own understanding.
"""

import jax, jax.numpy as jnp
import numpy as np

B = 16384
D = 32

def setup_inputs(seed: int = 0):
    key = jax.random.key(seed)
    def k(i):
        return jax.random.fold_in(key, i)
    inp = {}
    inp['pod_id'] = jax.random.randint(k(0), (B,), 0, 1000)
    inp['pod_cpu'] = jax.random.uniform(k(1), (B,), dtype=jnp.float32)
    inp['pod_mem'] = jax.random.uniform(k(2), (B,), dtype=jnp.float32)
    inp['pod_location'] = jax.random.randint(k(3), (B,), 0, 100)
    inp['pod_manifest'] = jax.random.normal(k(4), (B, 512), dtype=jnp.float32)
    inp['template_resource_id'] = jax.random.randint(k(5), (B,), 0, 1000)
    inp['template_cpu'] = jax.random.uniform(k(6), (B,), dtype=jnp.float32)
    inp['template_mem'] = jax.random.uniform(k(7), (B,), dtype=jnp.float32)
    inp['template_location'] = jax.random.randint(k(8), (B,), 0, 100)
    inp['pod_table'] = jax.random.normal(k(9), (1001, D), dtype=jnp.float32) * 0.02
    inp['template_table'] = jax.random.normal(k(10), (1001, D), dtype=jnp.float32) * 0.02
    inp['pod_loc_table'] = jax.random.normal(k(11), (101, D), dtype=jnp.float32) * 0.02
    inp['template_loc_table'] = jax.random.normal(k(12), (101, D), dtype=jnp.float32) * 0.02
    inp['W_manifest'] = jax.random.normal(k(13), (512, D), dtype=jnp.float32) * 0.02
    inp['b_manifest'] = jnp.zeros((D,), dtype=jnp.float32)
    inp['W_int'] = jax.random.normal(k(14), (1, D), dtype=jnp.float32) * 0.02
    inp['b_int'] = jnp.zeros((D,), dtype=jnp.float32)
    inp['W1'] = jax.random.normal(k(15), (9 * D, 256), dtype=jnp.float32) * 0.02
    inp['b1'] = jnp.zeros((256,), dtype=jnp.float32)
    inp['W2'] = jax.random.normal(k(16), (256, 64), dtype=jnp.float32) * 0.02
    inp['b2'] = jnp.zeros((64,), dtype=jnp.float32)
    inp['W3'] = jax.random.normal(k(17), (64, 1), dtype=jnp.float32) * 0.02
    inp['b3'] = jnp.zeros((1,), dtype=jnp.float32)
    return inp

def _min_max_normalize(t, eps=1e-08):
    t = t.reshape(-1, 1)
    mn = jnp.min(t, axis=0, keepdims=True)
    mx = jnp.max(t, axis=0, keepdims=True)
    return (t - mn) / (mx - mn + eps)

def reference(pod_id, pod_cpu, pod_mem, pod_location, pod_manifest, template_resource_id, template_cpu, template_mem, template_location, pod_table, template_table, pod_loc_table, template_loc_table, W_manifest, b_manifest, W_int, b_int, W1, b1, W2, b2, W3, b3):
    pod_id_emb = jnp.take(pod_table, pod_id, axis=0)
    pod_loc_emb = jnp.take(pod_loc_table, pod_location, axis=0)
    template_loc_emb = jnp.take(template_loc_table, template_location, axis=0)
    pod_manifest_emb = pod_manifest @ W_manifest + b_manifest
    pod_cpu_emb = _min_max_normalize(pod_cpu) @ W_int + b_int
    pod_mem_emb = _min_max_normalize(pod_mem) @ W_int + b_int
    template_id_emb = jnp.take(template_table, template_resource_id, axis=0)
    template_cpu_emb = _min_max_normalize(template_cpu) @ W_int + b_int
    template_mem_emb = _min_max_normalize(template_mem) @ W_int + b_int
    combined = jnp.concatenate([pod_id_emb, pod_cpu_emb, pod_mem_emb, pod_loc_emb, pod_manifest_emb, template_id_emb, template_cpu_emb, template_mem_emb, template_loc_emb], axis=1)
    h = jax.nn.relu(combined @ W1 + b1)
    h = jax.nn.relu(h @ W2 + b2)
    return h @ W3 + b3

if __name__ == "__main__":
    import jax
    _d = setup_inputs()
    print(jax.jit(kernel)(*tuple(_d.values())))

</pallas_src>

<mosaic_0001>
#map = affine_map<(d0, d1) -> (0, 0)>
#map1 = affine_map<(d0, d1) -> (0)>
module attributes {stable_mosaic.version = 14 : i64} {
  func.func @gather_kernel(%arg0: i32, %arg1: i32, %arg2: memref<1001x32xf32, #tpu.memory_space<hbm>>, %arg3: memref<101x32xf32, #tpu.memory_space<hbm>>, %arg4: memref<1001x32xf32, #tpu.memory_space<hbm>>, %arg5: memref<101x32xf32, #tpu.memory_space<hbm>>, %arg6: memref<16384xi32, #tpu.memory_space<hbm>>, %arg7: memref<16384xi32, #tpu.memory_space<hbm>>, %arg8: memref<16384xi32, #tpu.memory_space<hbm>>, %arg9: memref<16384xi32, #tpu.memory_space<hbm>>, %arg10: memref<16384xf32, #tpu.memory_space<hbm>>, %arg11: memref<16384xf32, #tpu.memory_space<hbm>>, %arg12: memref<16384xf32, #tpu.memory_space<hbm>>, %arg13: memref<16384xf32, #tpu.memory_space<hbm>>, %arg14: memref<16384x128xf32, #tpu.memory_space<hbm>>, %arg15: memref<8x16384xf32, #tpu.memory_space<hbm>>, %arg16: memref<4x512xi32, #tpu.memory_space<vmem>>, %arg17: memref<4x512x32xf32, #tpu.memory_space<vmem>>, %arg18: memref<!tpu.dma_semaphore, #tpu.memory_space<semaphore_mem>>, %arg19: memref<!tpu.dma_semaphore, #tpu.memory_space<semaphore_mem>>, %arg20: memref<!tpu.dma_semaphore, #tpu.memory_space<semaphore_mem>>) attributes {dimension_semantics = [#tpu.dimension_semantics<core_parallel>, #tpu.dimension_semantics<subcore_parallel>], iteration_bounds = array<i64: 2, 16>, scalar_prefetch = 0 : i64, scratch_operands = 5 : i64, tpu.core_type = #tpu.core_type<sc_vector_subcore>, window_params = [{transform_indices = #map}, {transform_indices = #map}, {transform_indices = #map}, {transform_indices = #map}, {transform_indices = #map1}, {transform_indices = #map1}, {transform_indices = #map1}, {transform_indices = #map1}, {transform_indices = #map1}, {transform_indices = #map1}, {transform_indices = #map1}, {transform_indices = #map1}, {transform_indices = #map}, {transform_indices = #map}]} {
    %mul3A = arith.constant 2 : i32
    %mul3A_0 = arith.muli %arg1, %mul3A : i32
    %add3A = arith.addi %mul3A_0, %arg0 : i32
    %mul3A_1 = arith.constant 512 : i32
    %mul3A_2 = arith.muli %add3A, %mul3A_1 : i32
    %dma_start3A = arith.constant 0 : i32
    %dma_start3A_3 = arith.constant 0 : i32
    %dma_start3A_4 = tpu.memref_slice %arg16[%dma_start3A, %dma_start3A_3] : memref<4x512xi32, #tpu.memory_space<vmem>> -> memref<1x512xi32, #tpu.memory_space<vmem>>
    %dma_start3A_5 = tpu.memref_squeeze %dma_start3A_4 : memref<1x512xi32, #tpu.memory_space<vmem>> -> memref<512xi32, #tpu.memory_space<vmem>>
    %dma_start3A_6 = tpu.memref_slice %arg6[%mul3A_2] : memref<16384xi32, #tpu.memory_space<hbm>> -> memref<512xi32, #tpu.memory_space<hbm>>
    %dma_start3A_7 = arith.constant 0 : i32
    %dma_start3A_8 = tpu.memref_slice %arg16[%dma_start3A, %dma_start3A_7] : memref<4x512xi32, #tpu.memory_space<vmem>> -> memref<1x512xi32, #tpu.memory_space<vmem>>
    %dma_start3A_9 = tpu.memref_squeeze %dma_start3A_8 : memref<1x512xi32, #tpu.memory_space<vmem>> -> memref<512xi32, #tpu.memory_space<vmem>>
    %dma_start3A_10 = tpu.memref_slice %arg6[%mul3A_2] : memref<16384xi32, #tpu.memory_space<hbm>> -> memref<512xi32, #tpu.memory_space<hbm>>
    tpu.enqueue_dma source(%dma_start3A_10 : memref<512xi32, #tpu.memory_space<hbm>>) target(%dma_start3A_9 : memref<512xi32, #tpu.memory_space<vmem>>) target_semaphore(%arg18 : memref<!tpu.dma_semaphore, #tpu.memory_space<semaphore_mem>>)
    %dma_start3A_11 = arith.constant 1 : i32
    %dma_start3A_12 = arith.constant 0 : i32
    %dma_start3A_13 = tpu.memref_slice %arg16[%dma_start3A_11, %dma_start3A_12] : memref<4x512xi32, #tpu.memory_space<vmem>> -> memref<1x512xi32, #tpu.memory_space<vmem>>
    %dma_start3A_14 = tpu.memref_squeeze %dma_start3A_13 : memref<1x512xi32, #tpu.memory_space<vmem>> -> memref<512xi32, #tpu.memory_space<vmem>>
    %dma_start3A_15 = tpu.memref_slice %arg7[%mul3A_2] : memref<16384xi32, #tpu.memory_space<hbm>> -> memref<512xi32, #tpu.memory_space<hbm>>
    %dma_start3A_16 = arith.constant 0 : i32
    %dma_start3A_17 = tpu.memref_slice %arg16[%dma_start3A_11, %dma_start3A_16] : memref<4x512xi32, #tpu.memory_space<vmem>> -> memref<1x512xi32, #tpu.memory_space<vmem>>
    %dma_start3A_18 = tpu.memref_squeeze %dma_start3A_17 : memref<1x512xi32, #tpu.memory_space<vmem>> -> memref<512xi32, #tpu.memory_space<vmem>>
    %dma_start3A_19 = tpu.memref_slice %arg7[%mul3A_2] : memref<16384xi32, #tpu.memory_space<hbm>> -> memref<512xi32, #tpu.memory_space<hbm>>
    tpu.enqueue_dma source(%dma_start3A_19 : memref<512xi32, #tpu.memory_space<hbm>>) target(%dma_start3A_18 : memref<512xi32, #tpu.memory_space<vmem>>) target_semaphore(%arg18 : memref<!tpu.dma_semaphore, #tpu.memory_space<semaphore_mem>>)
    %dma_start3A_20 = arith.constant 2 : i32
    %dma_start3A_21 = arith.constant 0 : i32
    %dma_start3A_22 = tpu.memref_slice %arg16[%dma_start3A_20, %dma_start3A_21] : memref<4x512xi32, #tpu.memory_space<vmem>> -> memref<1x512xi32, #tpu.memory_space<vmem>>
    %dma_start3A_23 = tpu.memref_squeeze %dma_start3A_22 : memref<1x512xi32, #tpu.memory_space<vmem>> -> memref<512xi32, #tpu.memory_space<vmem>>
    %dma_start3A_24 = tpu.memref_slice %arg8[%mul3A_2] : memref<16384xi32, #tpu.memory_space<hbm>> -> memref<512xi32, #tpu.memory_space<hbm>>
    %dma_start3A_25 = arith.constant 0 : i32
    %dma_start3A_26 = tpu.memref_slice %arg16[%dma_start3A_20, %dma_start3A_25] : memref<4x512xi32, #tpu.memory_space<vmem>> -> memref<1x512xi32, #tpu.memory_space<vmem>>
    %dma_start3A_27 = tpu.memref_squeeze %dma_start3A_26 : memref<1x512xi32, #tpu.memory_space<vmem>> -> memref<512xi32, #tpu.memory_space<vmem>>
    %dma_start3A_28 = tpu.memref_slice %arg8[%mul3A_2] : memref<16384xi32, #tpu.memory_space<hbm>> -> memref<512xi32, #tpu.memory_space<hbm>>
    tpu.enqueue_dma source(%dma_start3A_28 : memref<512xi32, #tpu.memory_space<hbm>>) target(%dma_start3A_27 : memref<512xi32, #tpu.memory_space<vmem>>) target_semaphore(%arg18 : memref<!tpu.dma_semaphore, #tpu.memory_space<semaphore_mem>>)
    %dma_start3A_29 = arith.constant 3 : i32
    %dma_start3A_30 = arith.constant 0 : i32
    %dma_start3A_31 = tpu.memref_slice %arg16[%dma_start3A_29, %dma_start3A_30] : memref<4x512xi32, #tpu.memory_space<vmem>> -> memref<1x512xi32, #tpu.memory_space<vmem>>
    %dma_start3A_32 = tpu.memref_squeeze %dma_start3A_31 : memref<1x512xi32, #tpu.memory_space<vmem>> -> memref<512xi32, #tpu.memory_space<vmem>>
    %dma_start3A_33 = tpu.memref_slice %arg9[%mul3A_2] : memref<16384xi32, #tpu.memory_space<hbm>> -> memref<512xi32, #tpu.memory_space<hbm>>
    %dma_start3A_34 = arith.constant 0 : i32
    %dma_start3A_35 = tpu.memref_slice %arg16[%dma_start3A_29, %dma_start3A_34] : memref<4x512xi32, #tpu.memory_space<vmem>> -> memref<1x512xi32, #tpu.memory_space<vmem>>
    %dma_start3A_36 = tpu.memref_squeeze %dma_start3A_35 : memref<1x512xi32, #tpu.memory_space<vmem>> -> memref<512xi32, #tpu.memory_space<vmem>>
    %dma_start3A_37 = tpu.memref_slice %arg9[%mul3A_2] : memref<16384xi32, #tpu.memory_space<hbm>> -> memref<512xi32, #tpu.memory_space<hbm>>
    tpu.enqueue_dma source(%dma_start3A_37 : memref<512xi32, #tpu.memory_space<hbm>>) target(%dma_start3A_36 : memref<512xi32, #tpu.memory_space<vmem>>) target_semaphore(%arg18 : memref<!tpu.dma_semaphore, #tpu.memory_space<semaphore_mem>>)
    %dma_start3A_38 = arith.constant 0 : i32
    %dma_start3A_39 = tpu.memref_slice %arg15[%dma_start3A_38, %mul3A_2] : memref<8x16384xf32, #tpu.memory_space<hbm>> -> memref<1x512xf32, #tpu.memory_space<hbm>>
    %dma_start3A_40 = tpu.memref_squeeze %dma_start3A_39 : memref<1x512xf32, #tpu.memory_space<hbm>> -> memref<512xf32, #tpu.memory_space<hbm>>
    %dma_start3A_41 = tpu.memref_slice %arg10[%mul3A_2] : memref<16384xf32, #tpu.memory_space<hbm>> -> memref<512xf32, #tpu.memory_space<hbm>>
    tpu.enqueue_dma source(%dma_start3A_41 : memref<512xf32, #tpu.memory_space<hbm>>) target(%dma_start3A_40 : memref<512xf32, #tpu.memory_space<hbm>>) target_semaphore(%arg20 : memref<!tpu.dma_semaphore, #tpu.memory_space<semaphore_mem>>)
    %dma_start3A_42 = arith.constant 1 : i32
    %dma_start3A_43 = tpu.memref_slice %arg15[%dma_start3A_42, %mul3A_2] : memref<8x16384xf32, #tpu.memory_space<hbm>> -> memref<1x512xf32, #tpu.memory_space<hbm>>
    %dma_start3A_44 = tpu.memref_squeeze %dma_start3A_43 : memref<1x512xf32, #tpu.memory_space<hbm>> -> memref<512xf32, #tpu.memory_space<hbm>>
    %dma_start3A_45 = tpu.memref_slice %arg11[%mul3A_2] : memref<16384xf32, #tpu.memory_space<hbm>> -> memref<512xf32, #tpu.memory_space<hbm>>
    tpu.enqueue_dma source(%dma_start3A_45 : memref<512xf32, #tpu.memory_space<hbm>>) target(%dma_start3A_44 : memref<512xf32, #tpu.memory_space<hbm>>) target_semaphore(%arg20 : memref<!tpu.dma_semaphore, #tpu.memory_space<semaphore_mem>>)
    %dma_start3A_46 = arith.constant 2 : i32
    %dma_start3A_47 = tpu.memref_slice %arg15[%dma_start3A_46, %mul3A_2] : memref<8x16384xf32, #tpu.memory_space<hbm>> -> memref<1x512xf32, #tpu.memory_space<hbm>>
    %dma_start3A_48 = tpu.memref_squeeze %dma_start3A_47 : memref<1x512xf32, #tpu.memory_space<hbm>> -> memref<512xf32, #tpu.memory_space<hbm>>
    %dma_start3A_49 = tpu.memref_slice %arg12[%mul3A_2] : memref<16384xf32, #tpu.memory_space<hbm>> -> memref<512xf32, #tpu.memory_space<hbm>>
    tpu.enqueue_dma source(%dma_start3A_49 : memref<512xf32, #tpu.memory_space<hbm>>) target(%dma_start3A_48 : memref<512xf32, #tpu.memory_space<hbm>>) target_semaphore(%arg20 : memref<!tpu.dma_semaphore, #tpu.memory_space<semaphore_mem>>)
    %dma_start3A_50 = arith.constant 3 : i32
    %dma_start3A_51 = tpu.memref_slice %arg15[%dma_start3A_50, %mul3A_2] : memref<8x16384xf32, #tpu.memory_space<hbm>> -> memref<1x512xf32, #tpu.memory_space<hbm>>
    %dma_start3A_52 = tpu.memref_squeeze %dma_start3A_51 : memref<1x512xf32, #tpu.memory_space<hbm>> -> memref<512xf32, #tpu.memory_space<hbm>>
    %dma_start3A_53 = tpu.memref_slice %arg13[%mul3A_2] : memref<16384xf32, #tpu.memory_space<hbm>> -> memref<512xf32, #tpu.memory_space<hbm>>
    tpu.enqueue_dma source(%dma_start3A_53 : memref<512xf32, #tpu.memory_space<hbm>>) target(%dma_start3A_52 : memref<512xf32, #tpu.memory_space<hbm>>) target_semaphore(%arg20 : memref<!tpu.dma_semaphore, #tpu.memory_space<semaphore_mem>>)
    %dma_wait3A = arith.constant 0 : i32
    %dma_wait3A_54 = arith.constant 0 : i32
    %dma_wait3A_55 = tpu.memref_slice %arg16[%dma_wait3A, %dma_wait3A_54] : memref<4x512xi32, #tpu.memory_space<vmem>> -> memref<1x512xi32, #tpu.memory_space<vmem>>
    %dma_wait3A_56 = tpu.memref_squeeze %dma_wait3A_55 : memref<1x512xi32, #tpu.memory_space<vmem>> -> memref<512xi32, #tpu.memory_space<vmem>>
    %dma_wait3A_57 = tpu.memref_slice %arg6[%mul3A_2] : memref<16384xi32, #tpu.memory_space<hbm>> -> memref<512xi32, #tpu.memory_space<hbm>>
    %dma_wait3A_58 = arith.constant 0 : i32
    %dma_wait3A_59 = tpu.memref_slice %arg16[%dma_wait3A, %dma_wait3A_58] : memref<4x512xi32, #tpu.memory_space<vmem>> -> memref<1x512xi32, #tpu.memory_space<vmem>>
    %dma_wait3A_60 = tpu.memref_squeeze %dma_wait3A_59 : memref<1x512xi32, #tpu.memory_space<vmem>> -> memref<512xi32, #tpu.memory_space<vmem>>
    %dma_wait3A_61 = tpu.memref_slice %arg6[%mul3A_2] : memref<16384xi32, #tpu.memory_space<hbm>> -> memref<512xi32, #tpu.memory_space<hbm>>
    tpu.wait_dma2 semaphore(%arg18 : memref<!tpu.dma_semaphore, #tpu.memory_space<semaphore_mem>>) src(%dma_wait3A_61 : memref<512xi32, #tpu.memory_space<hbm>>) dst(%dma_wait3A_60 : memref<512xi32, #tpu.memory_space<vmem>>)
    %dma_start3A_62 = arith.constant 0 : i32
    %dma_start3A_63 = arith.constant 0 : i32
    %dma_start3A_64 = arith.constant 0 : i32
    %dma_start3A_65 = arith.constant 0 : i32
    %dma_start3A_66 = tpu.memref_slice %arg17[%dma_start3A_63, %dma_start3A_64, %dma_start3A_65] : memref<4x512x32xf32, #tpu.memory_space<vmem>> -> memref<1x512x32xf32, #tpu.memory_space<vmem>>
    %dma_start3A_67 = tpu.memref_squeeze %dma_start3A_66 : memref<1x512x32xf32, #tpu.memory_space<vmem>> -> memref<512x32xf32, #tpu.memory_space<vmem>>
    %dma_start3A_68 = arith.constant 0 : i32
    %dma_start3A_69 = tpu.memref_slice %arg16[%dma_start3A_62, %dma_start3A_68] : memref<4x512xi32, #tpu.memory_space<vmem>> -> memref<1x512xi32, #tpu.memory_space<vmem>>
    %dma_start3A_70 = tpu.memref_squeeze %dma_start3A_69 : memref<1x512xi32, #tpu.memory_space<vmem>> -> memref<512xi32, #tpu.memory_space<vmem>>
    %dma_start3A_71 = arith.constant 0 : i32
    %dma_start3A_72 = arith.constant 0 : i32
    %dma_start3A_73 = tpu.memref_slice %arg2[%dma_start3A_71, %dma_start3A_72] : memref<1001x32xf32, #tpu.memory_space<hbm>> -> memref<1001x32xf32, #tpu.memory_space<hbm>>
    tpu.enqueue_indirect_dma source(%dma_start3A_73 : memref<1001x32xf32, #tpu.memory_space<hbm>>) target(%dma_start3A_67 : memref<512x32xf32, #tpu.memory_space<vmem>>) offsets(%dma_start3A_70 : memref<512xi32, #tpu.memory_space<vmem>>) semaphore(%arg19 : memref<!tpu.dma_semaphore, #tpu.memory_space<semaphore_mem>>)
    %dma_wait3A_74 = arith.constant 1 : i32
    %dma_wait3A_75 = arith.constant 0 : i32
    %dma_wait3A_76 = tpu.memref_slice %arg16[%dma_wait3A_74, %dma_wait3A_75] : memref<4x512xi32, #tpu.memory_space<vmem>> -> memref<1x512xi32, #tpu.memory_space<vmem>>
    %dma_wait3A_77 = tpu.memref_squeeze %dma_wait3A_76 : memref<1x512xi32, #tpu.memory_space<vmem>> -> memref<512xi32, #tpu.memory_space<vmem>>
    %dma_wait3A_78 = tpu.memref_slice %arg7[%mul3A_2] : memref<16384xi32, #tpu.memory_space<hbm>> -> memref<512xi32, #tpu.memory_space<hbm>>
    %dma_wait3A_79 = arith.constant 0 : i32
    %dma_wait3A_80 = tpu.memref_slice %arg16[%dma_wait3A_74, %dma_wait3A_79] : memref<4x512xi32, #tpu.memory_space<vmem>> -> memref<1x512xi32, #tpu.memory_space<vmem>>
    %dma_wait3A_81 = tpu.memref_squeeze %dma_wait3A_80 : memref<1x512xi32, #tpu.memory_space<vmem>> -> memref<512xi32, #tpu.memory_space<vmem>>
    %dma_wait3A_82 = tpu.memref_slice %arg7[%mul3A_2] : memref<16384xi32, #tpu.memory_space<hbm>> -> memref<512xi32, #tpu.memory_space<hbm>>
    tpu.wait_dma2 semaphore(%arg18 : memref<!tpu.dma_semaphore, #tpu.memory_space<semaphore_mem>>) src(%dma_wait3A_82 : memref<512xi32, #tpu.memory_space<hbm>>) dst(%dma_wait3A_81 : memref<512xi32, #tpu.memory_space<vmem>>)
    %dma_start3A_83 = arith.constant 1 : i32
    %dma_start3A_84 = arith.constant 1 : i32
    %dma_start3A_85 = arith.constant 0 : i32
    %dma_start3A_86 = arith.constant 0 : i32
    %dma_start3A_87 = tpu.memref_slice %arg17[%dma_start3A_84, %dma_start3A_85, %dma_start3A_86] : memref<4x512x32xf32, #tpu.memory_space<vmem>> -> memref<1x512x32xf32, #tpu.memory_space<vmem>>
    %dma_start3A_88 = tpu.memref_squeeze %dma_start3A_87 : memref<1x512x32xf32, #tpu.memory_space<vmem>> -> memref<512x32xf32, #tpu.memory_space<vmem>>
    %dma_start3A_89 = arith.constant 0 : i32
    %dma_start3A_90 = tpu.memref_slice %arg16[%dma_start3A_83, %dma_start3A_89] : memref<4x512xi32, #tpu.memory_space<vmem>> -> memref<1x512xi32, #tpu.memory_space<vmem>>
    %dma_start3A_91 = tpu.memref_squeeze %dma_start3A_90 : memref<1x512xi32, #tpu.memory_space<vmem>> -> memref<512xi32, #tpu.memory_space<vmem>>
    %dma_start3A_92 = arith.constant 0 : i32
    %dma_start3A_93 = arith.constant 0 : i32
    %dma_start3A_94 = tpu.memref_slice %arg3[%dma_start3A_92, %dma_start3A_93] : memref<101x32xf32, #tpu.memory_space<hbm>> -> memref<101x32xf32, #tpu.memory_space<hbm>>
    tpu.enqueue_indirect_dma source(%dma_start3A_94 : memref<101x32xf32, #tpu.memory_space<hbm>>) target(%dma_start3A_88 : memref<512x32xf32, #tpu.memory_space<vmem>>) offsets(%dma_start3A_91 : memref<512xi32, #tpu.memory_space<vmem>>) semaphore(%arg19 : memref<!tpu.dma_semaphore, #tpu.memory_space<semaphore_mem>>)
    %dma_wait3A_95 = arith.constant 2 : i32
    %dma_wait3A_96 = arith.constant 0 : i32
    %dma_wait3A_97 = tpu.memref_slice %arg16[%dma_wait3A_95, %dma_wait3A_96] : memref<4x512xi32, #tpu.memory_space<vmem>> -> memref<1x512xi32, #tpu.memory_space<vmem>>
    %dma_wait3A_98 = tpu.memref_squeeze %dma_wait3A_97 : memref<1x512xi32, #tpu.memory_space<vmem>> -> memref<512xi32, #tpu.memory_space<vmem>>
    %dma_wait3A_99 = tpu.memref_slice %arg8[%mul3A_2] : memref<16384xi32, #tpu.memory_space<hbm>> -> memref<512xi32, #tpu.memory_space<hbm>>
    %dma_wait3A_100 = arith.constant 0 : i32
    %dma_wait3A_101 = tpu.memref_slice %arg16[%dma_wait3A_95, %dma_wait3A_100] : memref<4x512xi32, #tpu.memory_space<vmem>> -> memref<1x512xi32, #tpu.memory_space<vmem>>
    %dma_wait3A_102 = tpu.memref_squeeze %dma_wait3A_101 : memref<1x512xi32, #tpu.memory_space<vmem>> -> memref<512xi32, #tpu.memory_space<vmem>>
    %dma_wait3A_103 = tpu.memref_slice %arg8[%mul3A_2] : memref<16384xi32, #tpu.memory_space<hbm>> -> memref<512xi32, #tpu.memory_space<hbm>>
    tpu.wait_dma2 semaphore(%arg18 : memref<!tpu.dma_semaphore, #tpu.memory_space<semaphore_mem>>) src(%dma_wait3A_103 : memref<512xi32, #tpu.memory_space<hbm>>) dst(%dma_wait3A_102 : memref<512xi32, #tpu.memory_space<vmem>>)
    %dma_start3A_104 = arith.constant 2 : i32
    %dma_start3A_105 = arith.constant 2 : i32
    %dma_start3A_106 = arith.constant 0 : i32
    %dma_start3A_107 = arith.constant 0 : i32
    %dma_start3A_108 = tpu.memref_slice %arg17[%dma_start3A_105, %dma_start3A_106, %dma_start3A_107] : memref<4x512x32xf32, #tpu.memory_space<vmem>> -> memref<1x512x32xf32, #tpu.memory_space<vmem>>
    %dma_start3A_109 = tpu.memref_squeeze %dma_start3A_108 : memref<1x512x32xf32, #tpu.memory_space<vmem>> -> memref<512x32xf32, #tpu.memory_space<vmem>>
    %dma_start3A_110 = arith.constant 0 : i32
    %dma_start3A_111 = tpu.memref_slice %arg16[%dma_start3A_104, %dma_start3A_110] : memref<4x512xi32, #tpu.memory_space<vmem>> -> memref<1x512xi32, #tpu.memory_space<vmem>>
    %dma_start3A_112 = tpu.memref_squeeze %dma_start3A_111 : memref<1x512xi32, #tpu.memory_space<vmem>> -> memref<512xi32, #tpu.memory_space<vmem>>
    %dma_start3A_113 = arith.constant 0 : i32
    %dma_start3A_114 = arith.constant 0 : i32
    %dma_start3A_115 = tpu.memref_slice %arg4[%dma_start3A_113, %dma_start3A_114] : memref<1001x32xf32, #tpu.memory_space<hbm>> -> memref<1001x32xf32, #tpu.memory_space<hbm>>
    tpu.enqueue_indirect_dma source(%dma_start3A_115 : memref<1001x32xf32, #tpu.memory_space<hbm>>) target(%dma_start3A_109 : memref<512x32xf32, #tpu.memory_space<vmem>>) offsets(%dma_start3A_112 : memref<512xi32, #tpu.memory_space<vmem>>) semaphore(%arg19 : memref<!tpu.dma_semaphore, #tpu.memory_space<semaphore_mem>>)
    %dma_wait3A_116 = arith.constant 3 : i32
    %dma_wait3A_117 = arith.constant 0 : i32
    %dma_wait3A_118 = tpu.memref_slice %arg16[%dma_wait3A_116, %dma_wait3A_117] : memref<4x512xi32, #tpu.memory_space<vmem>> -> memref<1x512xi32, #tpu.memory_space<vmem>>
    %dma_wait3A_119 = tpu.memref_squeeze %dma_wait3A_118 : memref<1x512xi32, #tpu.memory_space<vmem>> -> memref<512xi32, #tpu.memory_space<vmem>>
    %dma_wait3A_120 = tpu.memref_slice %arg9[%mul3A_2] : memref<16384xi32, #tpu.memory_space<hbm>> -> memref<512xi32, #tpu.memory_space<hbm>>
    %dma_wait3A_121 = arith.constant 0 : i32
    %dma_wait3A_122 = tpu.memref_slice %arg16[%dma_wait3A_116, %dma_wait3A_121] : memref<4x512xi32, #tpu.memory_space<vmem>> -> memref<1x512xi32, #tpu.memory_space<vmem>>
    %dma_wait3A_123 = tpu.memref_squeeze %dma_wait3A_122 : memref<1x512xi32, #tpu.memory_space<vmem>> -> memref<512xi32, #tpu.memory_space<vmem>>
    %dma_wait3A_124 = tpu.memref_slice %arg9[%mul3A_2] : memref<16384xi32, #tpu.memory_space<hbm>> -> memref<512xi32, #tpu.memory_space<hbm>>
    tpu.wait_dma2 semaphore(%arg18 : memref<!tpu.dma_semaphore, #tpu.memory_space<semaphore_mem>>) src(%dma_wait3A_124 : memref<512xi32, #tpu.memory_space<hbm>>) dst(%dma_wait3A_123 : memref<512xi32, #tpu.memory_space<vmem>>)
    %dma_start3A_125 = arith.constant 3 : i32
    %dma_start3A_126 = arith.constant 3 : i32
    %dma_start3A_127 = arith.constant 0 : i32
    %dma_start3A_128 = arith.constant 0 : i32
    %dma_start3A_129 = tpu.memref_slice %arg17[%dma_start3A_126, %dma_start3A_127, %dma_start3A_128] : memref<4x512x32xf32, #tpu.memory_space<vmem>> -> memref<1x512x32xf32, #tpu.memory_space<vmem>>
    %dma_start3A_130 = tpu.memref_squeeze %dma_start3A_129 : memref<1x512x32xf32, #tpu.memory_space<vmem>> -> memref<512x32xf32, #tpu.memory_space<vmem>>
    %dma_start3A_131 = arith.constant 0 : i32
    %dma_start3A_132 = tpu.memref_slice %arg16[%dma_start3A_125, %dma_start3A_131] : memref<4x512xi32, #tpu.memory_space<vmem>> -> memref<1x512xi32, #tpu.memory_space<vmem>>
    %dma_start3A_133 = tpu.memref_squeeze %dma_start3A_132 : memref<1x512xi32, #tpu.memory_space<vmem>> -> memref<512xi32, #tpu.memory_space<vmem>>
    %dma_start3A_134 = arith.constant 0 : i32
    %dma_start3A_135 = arith.constant 0 : i32
    %dma_start3A_136 = tpu.memref_slice %arg5[%dma_start3A_134, %dma_start3A_135] : memref<101x32xf32, #tpu.memory_space<hbm>> -> memref<101x32xf32, #tpu.memory_space<hbm>>
    tpu.enqueue_indirect_dma source(%dma_start3A_136 : memref<101x32xf32, #tpu.memory_space<hbm>>) target(%dma_start3A_130 : memref<512x32xf32, #tpu.memory_space<vmem>>) offsets(%dma_start3A_133 : memref<512xi32, #tpu.memory_space<vmem>>) semaphore(%arg19 : memref<!tpu.dma_semaphore, #tpu.memory_space<semaphore_mem>>)
    %dma_wait3A_137 = arith.constant 0 : i32
    %dma_wait3A_138 = arith.constant 0 : i32
    %dma_wait3A_139 = arith.constant 0 : i32
    %dma_wait3A_140 = arith.constant 0 : i32
    %dma_wait3A_141 = tpu.memref_slice %arg17[%dma_wait3A_138, %dma_wait3A_139, %dma_wait3A_140] : memref<4x512x32xf32, #tpu.memory_space<vmem>> -> memref<1x512x32xf32, #tpu.memory_space<vmem>>
    %dma_wait3A_142 = tpu.memref_squeeze %dma_wait3A_141 : memref<1x512x32xf32, #tpu.memory_space<vmem>> -> memref<512x32xf32, #tpu.memory_space<vmem>>
    %dma_wait3A_143 = arith.constant 0 : i32
    %dma_wait3A_144 = tpu.memref_slice %arg16[%dma_wait3A_137, %dma_wait3A_143] : memref<4x512xi32, #tpu.memory_space<vmem>> -> memref<1x512xi32, #tpu.memory_space<vmem>>
    %dma_wait3A_145 = tpu.memref_squeeze %dma_wait3A_144 : memref<1x512xi32, #tpu.memory_space<vmem>> -> memref<512xi32, #tpu.memory_space<vmem>>
    %dma_wait3A_146 = arith.constant 0 : i32
    %dma_wait3A_147 = arith.constant 0 : i32
    %dma_wait3A_148 = tpu.memref_slice %arg2[%dma_wait3A_146, %dma_wait3A_147] : memref<1001x32xf32, #tpu.memory_space<hbm>> -> memref<1001x32xf32, #tpu.memory_space<hbm>>
    tpu.wait_indirect_dma semaphore(%arg19 : memref<!tpu.dma_semaphore, #tpu.memory_space<semaphore_mem>>) src(%dma_wait3A_148 : memref<1001x32xf32, #tpu.memory_space<hbm>>) dst(%dma_wait3A_142 : memref<512x32xf32, #tpu.memory_space<vmem>>)
    %dma_start3A_149 = arith.constant 0 : i32
    %dma_start3A_150 = arith.constant 0 : i32
    %dma_start3A_151 = arith.constant 0 : i32
    %dma_start3A_152 = tpu.memref_slice %arg17[%dma_start3A_149, %dma_start3A_150, %dma_start3A_151] : memref<4x512x32xf32, #tpu.memory_space<vmem>> -> memref<1x512x32xf32, #tpu.memory_space<vmem>>
    %dma_start3A_153 = tpu.memref_squeeze %dma_start3A_152 : memref<1x512x32xf32, #tpu.memory_space<vmem>> -> memref<512x32xf32, #tpu.memory_space<vmem>>
    %dma_start3A_154 = arith.constant 0 : i32
    %dma_start3A_155 = tpu.memref_slice %arg14[%mul3A_2, %dma_start3A_154] : memref<16384x128xf32, #tpu.memory_space<hbm>> -> memref<512x32xf32, #tpu.memory_space<hbm>>
    %dma_start3A_156 = arith.constant 0 : i32
    %dma_start3A_157 = tpu.memref_slice %arg14[%mul3A_2, %dma_start3A_156] : memref<16384x128xf32, #tpu.memory_space<hbm>> -> memref<512x32xf32, #tpu.memory_space<hbm>>
    %dma_start3A_158 = arith.constant 0 : i32
    %dma_start3A_159 = arith.constant 0 : i32
    %dma_start3A_160 = tpu.memref_slice %arg17[%dma_start3A_149, %dma_start3A_158, %dma_start3A_159] : memref<4x512x32xf32, #tpu.memory_space<vmem>> -> memref<1x512x32xf32, #tpu.memory_space<vmem>>
    %dma_start3A_161 = tpu.memref_squeeze %dma_start3A_160 : memref<1x512x32xf32, #tpu.memory_space<vmem>> -> memref<512x32xf32, #tpu.memory_space<vmem>>
    tpu.enqueue_dma source(%dma_start3A_161 : memref<512x32xf32, #tpu.memory_space<vmem>>) target(%dma_start3A_157 : memref<512x32xf32, #tpu.memory_space<hbm>>) target_semaphore(%arg20 : memref<!tpu.dma_semaphore, #tpu.memory_space<semaphore_mem>>)
    %dma_wait3A_162 = arith.constant 1 : i32
    %dma_wait3A_163 = arith.constant 1 : i32
    %dma_wait3A_164 = arith.constant 0 : i32
    %dma_wait3A_165 = arith.constant 0 : i32
    %dma_wait3A_166 = tpu.memref_slice %arg17[%dma_wait3A_163, %dma_wait3A_164, %dma_wait3A_165] : memref<4x512x32xf32, #tpu.memory_space<vmem>> -> memref<1x512x32xf32, #tpu.memory_space<vmem>>
    %dma_wait3A_167 = tpu.memref_squeeze %dma_wait3A_166 : memref<1x512x32xf32, #tpu.memory_space<vmem>> -> memref<512x32xf32, #tpu.memory_space<vmem>>
    %dma_wait3A_168 = arith.constant 0 : i32
    %dma_wait3A_169 = tpu.memref_slice %arg16[%dma_wait3A_162, %dma_wait3A_168] : memref<4x512xi32, #tpu.memory_space<vmem>> -> memref<1x512xi32, #tpu.memory_space<vmem>>
    %dma_wait3A_170 = tpu.memref_squeeze %dma_wait3A_169 : memref<1x512xi32, #tpu.memory_space<vmem>> -> memref<512xi32, #tpu.memory_space<vmem>>
    %dma_wait3A_171 = arith.constant 0 : i32
    %dma_wait3A_172 = arith.constant 0 : i32
    %dma_wait3A_173 = tpu.memref_slice %arg3[%dma_wait3A_171, %dma_wait3A_172] : memref<101x32xf32, #tpu.memory_space<hbm>> -> memref<101x32xf32, #tpu.memory_space<hbm>>
    tpu.wait_indirect_dma semaphore(%arg19 : memref<!tpu.dma_semaphore, #tpu.memory_space<semaphore_mem>>) src(%dma_wait3A_173 : memref<101x32xf32, #tpu.memory_space<hbm>>) dst(%dma_wait3A_167 : memref<512x32xf32, #tpu.memory_space<vmem>>)
    %dma_start3A_174 = arith.constant 1 : i32
    %dma_start3A_175 = arith.constant 0 : i32
    %dma_start3A_176 = arith.constant 0 : i32
    %dma_start3A_177 = tpu.memref_slice %arg17[%dma_start3A_174, %dma_start3A_175, %dma_start3A_176] : memref<4x512x32xf32, #tpu.memory_space<vmem>> -> memref<1x512x32xf32, #tpu.memory_space<vmem>>
    %dma_start3A_178 = tpu.memref_squeeze %dma_start3A_177 : memref<1x512x32xf32, #tpu.memory_space<vmem>> -> memref<512x32xf32, #tpu.memory_space<vmem>>
    %dma_start3A_179 = arith.constant 32 : i32
    %dma_start3A_180 = tpu.memref_slice %arg14[%mul3A_2, %dma_start3A_179] : memref<16384x128xf32, #tpu.memory_space<hbm>> -> memref<512x32xf32, #tpu.memory_space<hbm>>
    %dma_start3A_181 = arith.constant 32 : i32
    %dma_start3A_182 = tpu.memref_slice %arg14[%mul3A_2, %dma_start3A_181] : memref<16384x128xf32, #tpu.memory_space<hbm>> -> memref<512x32xf32, #tpu.memory_space<hbm>>
    %dma_start3A_183 = arith.constant 0 : i32
    %dma_start3A_184 = arith.constant 0 : i32
    %dma_start3A_185 = tpu.memref_slice %arg17[%dma_start3A_174, %dma_start3A_183, %dma_start3A_184] : memref<4x512x32xf32, #tpu.memory_space<vmem>> -> memref<1x512x32xf32, #tpu.memory_space<vmem>>
    %dma_start3A_186 = tpu.memref_squeeze %dma_start3A_185 : memref<1x512x32xf32, #tpu.memory_space<vmem>> -> memref<512x32xf32, #tpu.memory_space<vmem>>
    tpu.enqueue_dma source(%dma_start3A_186 : memref<512x32xf32, #tpu.memory_space<vmem>>) target(%dma_start3A_182 : memref<512x32xf32, #tpu.memory_space<hbm>>) target_semaphore(%arg20 : memref<!tpu.dma_semaphore, #tpu.memory_space<semaphore_mem>>)
    %dma_wait3A_187 = arith.constant 2 : i32
    %dma_wait3A_188 = arith.constant 2 : i32
    %dma_wait3A_189 = arith.constant 0 : i32
    %dma_wait3A_190 = arith.constant 0 : i32
    %dma_wait3A_191 = tpu.memref_slice %arg17[%dma_wait3A_188, %dma_wait3A_189, %dma_wait3A_190] : memref<4x512x32xf32, #tpu.memory_space<vmem>> -> memref<1x512x32xf32, #tpu.memory_space<vmem>>
    %dma_wait3A_192 = tpu.memref_squeeze %dma_wait3A_191 : memref<1x512x32xf32, #tpu.memory_space<vmem>> -> memref<512x32xf32, #tpu.memory_space<vmem>>
    %dma_wait3A_193 = arith.constant 0 : i32
    %dma_wait3A_194 = tpu.memref_slice %arg16[%dma_wait3A_187, %dma_wait3A_193] : memref<4x512xi32, #tpu.memory_space<vmem>> -> memref<1x512xi32, #tpu.memory_space<vmem>>
    %dma_wait3A_195 = tpu.memref_squeeze %dma_wait3A_194 : memref<1x512xi32, #tpu.memory_space<vmem>> -> memref<512xi32, #tpu.memory_space<vmem>>
    %dma_wait3A_196 = arith.constant 0 : i32
    %dma_wait3A_197 = arith.constant 0 : i32
    %dma_wait3A_198 = tpu.memref_slice %arg4[%dma_wait3A_196, %dma_wait3A_197] : memref<1001x32xf32, #tpu.memory_space<hbm>> -> memref<1001x32xf32, #tpu.memory_space<hbm>>
    tpu.wait_indirect_dma semaphore(%arg19 : memref<!tpu.dma_semaphore, #tpu.memory_space<semaphore_mem>>) src(%dma_wait3A_198 : memref<1001x32xf32, #tpu.memory_space<hbm>>) dst(%dma_wait3A_192 : memref<512x32xf32, #tpu.memory_space<vmem>>)
    %dma_start3A_199 = arith.constant 2 : i32
    %dma_start3A_200 = arith.constant 0 : i32
    %dma_start3A_201 = arith.constant 0 : i32
    %dma_start3A_202 = tpu.memref_slice %arg17[%dma_start3A_199, %dma_start3A_200, %dma_start3A_201] : memref<4x512x32xf32, #tpu.memory_space<vmem>> -> memref<1x512x32xf32, #tpu.memory_space<vmem>>
    %dma_start3A_203 = tpu.memref_squeeze %dma_start3A_202 : memref<1x512x32xf32, #tpu.memory_space<vmem>> -> memref<512x32xf32, #tpu.memory_space<vmem>>
    %dma_start3A_204 = arith.constant 64 : i32
    %dma_start3A_205 = tpu.memref_slice %arg14[%mul3A_2, %dma_start3A_204] : memref<16384x128xf32, #tpu.memory_space<hbm>> -> memref<512x32xf32, #tpu.memory_space<hbm>>
    %dma_start3A_206 = arith.constant 64 : i32
    %dma_start3A_207 = tpu.memref_slice %arg14[%mul3A_2, %dma_start3A_206] : memref<16384x128xf32, #tpu.memory_space<hbm>> -> memref<512x32xf32, #tpu.memory_space<hbm>>
    %dma_start3A_208 = arith.constant 0 : i32
    %dma_start3A_209 = arith.constant 0 : i32
    %dma_start3A_210 = tpu.memref_slice %arg17[%dma_start3A_199, %dma_start3A_208, %dma_start3A_209] : memref<4x512x32xf32, #tpu.memory_space<vmem>> -> memref<1x512x32xf32, #tpu.memory_space<vmem>>
    %dma_start3A_211 = tpu.memref_squeeze %dma_start3A_210 : memref<1x512x32xf32, #tpu.memory_space<vmem>> -> memref<512x32xf32, #tpu.memory_space<vmem>>
    tpu.enqueue_dma source(%dma_start3A_211 : memref<512x32xf32, #tpu.memory_space<vmem>>) target(%dma_start3A_207 : memref<512x32xf32, #tpu.memory_space<hbm>>) target_semaphore(%arg20 : memref<!tpu.dma_semaphore, #tpu.memory_space<semaphore_mem>>)
    %dma_wait3A_212 = arith.constant 3 : i32
    %dma_wait3A_213 = arith.constant 3 : i32
    %dma_wait3A_214 = arith.constant 0 : i32
    %dma_wait3A_215 = arith.constant 0 : i32
    %dma_wait3A_216 = tpu.memref_slice %arg17[%dma_wait3A_213, %dma_wait3A_214, %dma_wait3A_215] : memref<4x512x32xf32, #tpu.memory_space<vmem>> -> memref<1x512x32xf32, #tpu.memory_space<vmem>>
    %dma_wait3A_217 = tpu.memref_squeeze %dma_wait3A_216 : memref<1x512x32xf32, #tpu.memory_space<vmem>> -> memref<512x32xf32, #tpu.memory_space<vmem>>
    %dma_wait3A_218 = arith.constant 0 : i32
    %dma_wait3A_219 = tpu.memref_slice %arg16[%dma_wait3A_212, %dma_wait3A_218] : memref<4x512xi32, #tpu.memory_space<vmem>> -> memref<1x512xi32, #tpu.memory_space<vmem>>
    %dma_wait3A_220 = tpu.memref_squeeze %dma_wait3A_219 : memref<1x512xi32, #tpu.memory_space<vmem>> -> memref<512xi32, #tpu.memory_space<vmem>>
    %dma_wait3A_221 = arith.constant 0 : i32
    %dma_wait3A_222 = arith.constant 0 : i32
    %dma_wait3A_223 = tpu.memref_slice %arg5[%dma_wait3A_221, %dma_wait3A_222] : memref<101x32xf32, #tpu.memory_space<hbm>> -> memref<101x32xf32, #tpu.memory_space<hbm>>
    tpu.wait_indirect_dma semaphore(%arg19 : memref<!tpu.dma_semaphore, #tpu.memory_space<semaphore_mem>>) src(%dma_wait3A_223 : memref<101x32xf32, #tpu.memory_space<hbm>>) dst(%dma_wait3A_217 : memref<512x32xf32, #tpu.memory_space<vmem>>)
    %dma_start3A_224 = arith.constant 3 : i32
    %dma_start3A_225 = arith.constant 0 : i32
    %dma_start3A_226 = arith.constant 0 : i32
    %dma_start3A_227 = tpu.memref_slice %arg17[%dma_start3A_224, %dma_start3A_225, %dma_start3A_226] : memref<4x512x32xf32, #tpu.memory_space<vmem>> -> memref<1x512x32xf32, #tpu.memory_space<vmem>>
    %dma_start3A_228 = tpu.memref_squeeze %dma_start3A_227 : memref<1x512x32xf32, #tpu.memory_space<vmem>> -> memref<512x32xf32, #tpu.memory_space<vmem>>
    %dma_start3A_229 = arith.constant 96 : i32
    %dma_start3A_230 = tpu.memref_slice %arg14[%mul3A_2, %dma_start3A_229] : memref<16384x128xf32, #tpu.memory_space<hbm>> -> memref<512x32xf32, #tpu.memory_space<hbm>>
    %dma_start3A_231 = arith.constant 96 : i32
    %dma_start3A_232 = tpu.memref_slice %arg14[%mul3A_2, %dma_start3A_231] : memref<16384x128xf32, #tpu.memory_space<hbm>> -> memref<512x32xf32, #tpu.memory_space<hbm>>
    %dma_start3A_233 = arith.constant 0 : i32
    %dma_start3A_234 = arith.constant 0 : i32
    %dma_start3A_235 = tpu.memref_slice %arg17[%dma_start3A_224, %dma_start3A_233, %dma_start3A_234] : memref<4x512x32xf32, #tpu.memory_space<vmem>> -> memref<1x512x32xf32, #tpu.memory_space<vmem>>
    %dma_start3A_236 = tpu.memref_squeeze %dma_start3A_235 : memref<1x512x32xf32, #tpu.memory_space<vmem>> -> memref<512x32xf32, #tpu.memory_space<vmem>>
    tpu.enqueue_dma source(%dma_start3A_236 : memref<512x32xf32, #tpu.memory_space<vmem>>) target(%dma_start3A_232 : memref<512x32xf32, #tpu.memory_space<hbm>>) target_semaphore(%arg20 : memref<!tpu.dma_semaphore, #tpu.memory_space<semaphore_mem>>)
    %dma_wait3A_237 = arith.constant 0 : i32
    %dma_wait3A_238 = tpu.memref_slice %arg15[%dma_wait3A_237, %mul3A_2] : memref<8x16384xf32, #tpu.memory_space<hbm>> -> memref<1x512xf32, #tpu.memory_space<hbm>>
    %dma_wait3A_239 = tpu.memref_squeeze %dma_wait3A_238 : memref<1x512xf32, #tpu.memory_space<hbm>> -> memref<512xf32, #tpu.memory_space<hbm>>
    %dma_wait3A_240 = tpu.memref_slice %arg10[%mul3A_2] : memref<16384xf32, #tpu.memory_space<hbm>> -> memref<512xf32, #tpu.memory_space<hbm>>
    tpu.wait_dma2 semaphore(%arg20 : memref<!tpu.dma_semaphore, #tpu.memory_space<semaphore_mem>>) src(%dma_wait3A_240 : memref<512xf32, #tpu.memory_space<hbm>>) dst(%dma_wait3A_239 : memref<512xf32, #tpu.memory_space<hbm>>)
    %dma_wait3A_241 = arith.constant 1 : i32
    %dma_wait3A_242 = tpu.memref_slice %arg15[%dma_wait3A_241, %mul3A_2] : memref<8x16384xf32, #tpu.memory_space<hbm>> -> memref<1x512xf32, #tpu.memory_space<hbm>>
    %dma_wait3A_243 = tpu.memref_squeeze %dma_wait3A_242 : memref<1x512xf32, #tpu.memory_space<hbm>> -> memref<512xf32, #tpu.memory_space<hbm>>
    %dma_wait3A_244 = tpu.memref_slice %arg11[%mul3A_2] : memref<16384xf32, #tpu.memory_space<hbm>> -> memref<512xf32, #tpu.memory_space<hbm>>
    tpu.wait_dma2 semaphore(%arg20 : memref<!tpu.dma_semaphore, #tpu.memory_space<semaphore_mem>>) src(%dma_wait3A_244 : memref<512xf32, #tpu.memory_space<hbm>>) dst(%dma_wait3A_243 : memref<512xf32, #tpu.memory_space<hbm>>)
    %dma_wait3A_245 = arith.constant 2 : i32
    %dma_wait3A_246 = tpu.memref_slice %arg15[%dma_wait3A_245, %mul3A_2] : memref<8x16384xf32, #tpu.memory_space<hbm>> -> memref<1x512xf32, #tpu.memory_space<hbm>>
    %dma_wait3A_247 = tpu.memref_squeeze %dma_wait3A_246 : memref<1x512xf32, #tpu.memory_space<hbm>> -> memref<512xf32, #tpu.memory_space<hbm>>
    %dma_wait3A_248 = tpu.memref_slice %arg12[%mul3A_2] : memref<16384xf32, #tpu.memory_space<hbm>> -> memref<512xf32, #tpu.memory_space<hbm>>
    tpu.wait_dma2 semaphore(%arg20 : memref<!tpu.dma_semaphore, #tpu.memory_space<semaphore_mem>>) src(%dma_wait3A_248 : memref<512xf32, #tpu.memory_space<hbm>>) dst(%dma_wait3A_247 : memref<512xf32, #tpu.memory_space<hbm>>)
    %dma_wait3A_249 = arith.constant 3 : i32
    %dma_wait3A_250 = tpu.memref_slice %arg15[%dma_wait3A_249, %mul3A_2] : memref<8x16384xf32, #tpu.memory_space<hbm>> -> memref<1x512xf32, #tpu.memory_space<hbm>>
    %dma_wait3A_251 = tpu.memref_squeeze %dma_wait3A_250 : memref<1x512xf32, #tpu.memory_space<hbm>> -> memref<512xf32, #tpu.memory_space<hbm>>
    %dma_wait3A_252 = tpu.memref_slice %arg13[%mul3A_2] : memref<16384xf32, #tpu.memory_space<hbm>> -> memref<512xf32, #tpu.memory_space<hbm>>
    tpu.wait_dma2 semaphore(%arg20 : memref<!tpu.dma_semaphore, #tpu.memory_space<semaphore_mem>>) src(%dma_wait3A_252 : memref<512xf32, #tpu.memory_space<hbm>>) dst(%dma_wait3A_251 : memref<512xf32, #tpu.memory_space<hbm>>)
    %dma_wait3A_253 = arith.constant 0 : i32
    %dma_wait3A_254 = arith.constant 0 : i32
    %dma_wait3A_255 = arith.constant 0 : i32
    %dma_wait3A_256 = tpu.memref_slice %arg17[%dma_wait3A_253, %dma_wait3A_254, %dma_wait3A_255] : memref<4x512x32xf32, #tpu.memory_space<vmem>> -> memref<1x512x32xf32, #tpu.memory_space<vmem>>
    %dma_wait3A_257 = tpu.memref_squeeze %dma_wait3A_256 : memref<1x512x32xf32, #tpu.memory_space<vmem>> -> memref<512x32xf32, #tpu.memory_space<vmem>>
    %dma_wait3A_258 = arith.constant 0 : i32
    %dma_wait3A_259 = tpu.memref_slice %arg14[%mul3A_2, %dma_wait3A_258] : memref<16384x128xf32, #tpu.memory_space<hbm>> -> memref<512x32xf32, #tpu.memory_space<hbm>>
    %dma_wait3A_260 = arith.constant 0 : i32
    %dma_wait3A_261 = tpu.memref_slice %arg14[%mul3A_2, %dma_wait3A_260] : memref<16384x128xf32, #tpu.memory_space<hbm>> -> memref<512x32xf32, #tpu.memory_space<hbm>>
    %dma_wait3A_262 = arith.constant 0 : i32
    %dma_wait3A_263 = arith.constant 0 : i32
    %dma_wait3A_264 = tpu.memref_slice %arg17[%dma_wait3A_253, %dma_wait3A_262, %dma_wait3A_263] : memref<4x512x32xf32, #tpu.memory_space<vmem>> -> memref<1x512x32xf32, #tpu.memory_space<vmem>>
    %dma_wait3A_265 = tpu.memref_squeeze %dma_wait3A_264 : memref<1x512x32xf32, #tpu.memory_space<vmem>> -> memref<512x32xf32, #tpu.memory_space<vmem>>
    tpu.wait_dma2 semaphore(%arg20 : memref<!tpu.dma_semaphore, #tpu.memory_space<semaphore_mem>>) src(%dma_wait3A_265 : memref<512x32xf32, #tpu.memory_space<vmem>>) dst(%dma_wait3A_261 : memref<512x32xf32, #tpu.memory_space<hbm>>)
    %dma_wait3A_266 = arith.constant 1 : i32
    %dma_wait3A_267 = arith.constant 0 : i32
    %dma_wait3A_268 = arith.constant 0 : i32
    %dma_wait3A_269 = tpu.memref_slice %arg17[%dma_wait3A_266, %dma_wait3A_267, %dma_wait3A_268] : memref<4x512x32xf32, #tpu.memory_space<vmem>> -> memref<1x512x32xf32, #tpu.memory_space<vmem>>
    %dma_wait3A_270 = tpu.memref_squeeze %dma_wait3A_269 : memref<1x512x32xf32, #tpu.memory_space<vmem>> -> memref<512x32xf32, #tpu.memory_space<vmem>>
    %dma_wait3A_271 = arith.constant 32 : i32
    %dma_wait3A_272 = tpu.memref_slice %arg14[%mul3A_2, %dma_wait3A_271] : memref<16384x128xf32, #tpu.memory_space<hbm>> -> memref<512x32xf32, #tpu.memory_space<hbm>>
    %dma_wait3A_273 = arith.constant 32 : i32
    %dma_wait3A_274 = tpu.memref_slice %arg14[%mul3A_2, %dma_wait3A_273] : memref<16384x128xf32, #tpu.memory_space<hbm>> -> memref<512x32xf32, #tpu.memory_space<hbm>>
    %dma_wait3A_275 = arith.constant 0 : i32
    %dma_wait3A_276 = arith.constant 0 : i32
    %dma_wait3A_277 = tpu.memref_slice %arg17[%dma_wait3A_266, %dma_wait3A_275, %dma_wait3A_276] : memref<4x512x32xf32, #tpu.memory_space<vmem>> -> memref<1x512x32xf32, #tpu.memory_space<vmem>>
    %dma_wait3A_278 = tpu.memref_squeeze %dma_wait3A_277 : memref<1x512x32xf32, #tpu.memory_space<vmem>> -> memref<512x32xf32, #tpu.memory_space<vmem>>
    tpu.wait_dma2 semaphore(%arg20 : memref<!tpu.dma_semaphore, #tpu.memory_space<semaphore_mem>>) src(%dma_wait3A_278 : memref<512x32xf32, #tpu.memory_space<vmem>>) dst(%dma_wait3A_274 : memref<512x32xf32, #tpu.memory_space<hbm>>)
    %dma_wait3A_279 = arith.constant 2 : i32
    %dma_wait3A_280 = arith.constant 0 : i32
    %dma_wait3A_281 = arith.constant 0 : i32
    %dma_wait3A_282 = tpu.memref_slice %arg17[%dma_wait3A_279, %dma_wait3A_280, %dma_wait3A_281] : memref<4x512x32xf32, #tpu.memory_space<vmem>> -> memref<1x512x32xf32, #tpu.memory_space<vmem>>
    %dma_wait3A_283 = tpu.memref_squeeze %dma_wait3A_282 : memref<1x512x32xf32, #tpu.memory_space<vmem>> -> memref<512x32xf32, #tpu.memory_space<vmem>>
    %dma_wait3A_284 = arith.constant 64 : i32
    %dma_wait3A_285 = tpu.memref_slice %arg14[%mul3A_2, %dma_wait3A_284] : memref<16384x128xf32, #tpu.memory_space<hbm>> -> memref<512x32xf32, #tpu.memory_space<hbm>>
    %dma_wait3A_286 = arith.constant 64 : i32
    %dma_wait3A_287 = tpu.memref_slice %arg14[%mul3A_2, %dma_wait3A_286] : memref<16384x128xf32, #tpu.memory_space<hbm>> -> memref<512x32xf32, #tpu.memory_space<hbm>>
    %dma_wait3A_288 = arith.constant 0 : i32
    %dma_wait3A_289 = arith.constant 0 : i32
    %dma_wait3A_290 = tpu.memref_slice %arg17[%dma_wait3A_279, %dma_wait3A_288, %dma_wait3A_289] : memref<4x512x32xf32, #tpu.memory_space<vmem>> -> memref<1x512x32xf32, #tpu.memory_space<vmem>>
    %dma_wait3A_291 = tpu.memref_squeeze %dma_wait3A_290 : memref<1x512x32xf32, #tpu.memory_space<vmem>> -> memref<512x32xf32, #tpu.memory_space<vmem>>
    tpu.wait_dma2 semaphore(%arg20 : memref<!tpu.dma_semaphore, #tpu.memory_space<semaphore_mem>>) src(%dma_wait3A_291 : memref<512x32xf32, #tpu.memory_space<vmem>>) dst(%dma_wait3A_287 : memref<512x32xf32, #tpu.memory_space<hbm>>)
    %dma_wait3A_292 = arith.constant 3 : i32
    %dma_wait3A_293 = arith.constant 0 : i32
    %dma_wait3A_294 = arith.constant 0 : i32
    %dma_wait3A_295 = tpu.memref_slice %arg17[%dma_wait3A_292, %dma_wait3A_293, %dma_wait3A_294] : memref<4x512x32xf32, #tpu.memory_space<vmem>> -> memref<1x512x32xf32, #tpu.memory_space<vmem>>
    %dma_wait3A_296 = tpu.memref_squeeze %dma_wait3A_295 : memref<1x512x32xf32, #tpu.memory_space<vmem>> -> memref<512x32xf32, #tpu.memory_space<vmem>>
    %dma_wait3A_297 = arith.constant 96 : i32
    %dma_wait3A_298 = tpu.memref_slice %arg14[%mul3A_2, %dma_wait3A_297] : memref<16384x128xf32, #tpu.memory_space<hbm>> -> memref<512x32xf32, #tpu.memory_space<hbm>>
    %dma_wait3A_299 = arith.constant 96 : i32
    %dma_wait3A_300 = tpu.memref_slice %arg14[%mul3A_2, %dma_wait3A_299] : memref<16384x128xf32, #tpu.memory_space<hbm>> -> memref<512x32xf32, #tpu.memory_space<hbm>>
    %dma_wait3A_301 = arith.constant 0 : i32
    %dma_wait3A_302 = arith.constant 0 : i32
    %dma_wait3A_303 = tpu.memref_slice %arg17[%dma_wait3A_292, %dma_wait3A_301, %dma_wait3A_302] : memref<4x512x32xf32, #tpu.memory_space<vmem>> -> memref<1x512x32xf32, #tpu.memory_space<vmem>>
    %dma_wait3A_304 = tpu.memref_squeeze %dma_wait3A_303 : memref<1x512x32xf32, #tpu.memory_space<vmem>> -> memref<512x32xf32, #tpu.memory_space<vmem>>
    tpu.wait_dma2 semaphore(%arg20 : memref<!tpu.dma_semaphore, #tpu.memory_space<semaphore_mem>>) src(%dma_wait3A_304 : memref<512x32xf32, #tpu.memory_space<vmem>>) dst(%dma_wait3A_300 : memref<512x32xf32, #tpu.memory_space<hbm>>)
    return
  }
}

module attributes {stable_mosaic.version = 14 : i64} {
  func.func @_manifest_body(%arg0: i32, %arg1: memref<2048x512xf32, #tpu.memory_space<vmem>>, %arg2: memref<512x32xf32, #tpu.memory_space<vmem>>, %arg3: memref<1x32xf32, #tpu.memory_space<vmem>>, %arg4: memref<2048x128xbf16, #tpu.memory_space<vmem>>) attributes {dimension_semantics = [#tpu.dimension_semantics<arbitrary>], iteration_bounds = array<i64: 8>, scalar_prefetch = 0 : i64, scratch_operands = 0 : i64, tpu.core_type = #tpu.core_type<tc>, window_params = [{transform_indices = @transform_0, window_bounds = array<i64: 2048, 512>}, {pipeline_mode = #tpu.pipeline_mode<synchronous>, transform_indices = @transform_1, window_bounds = array<i64: 512, 32>}, {pipeline_mode = #tpu.pipeline_mode<synchronous>, transform_indices = @transform_2, window_bounds = array<i64: 1, 32>}, {transform_indices = @transform_3, window_bounds = array<i64: 2048, 128>}]} {
    %broadcast_in_dim3A = arith.constant 0.000000e+00 : f32
    %broadcast_in_dim3A_0 = vector.broadcast %broadcast_in_dim3A : f32 to vector<512x96xf32>
    %get3A = arith.constant 0 : index
    %get3A_1 = arith.constant 0 : index
    %get3A_2 = vector.load %arg2[%get3A, %get3A_1] : memref<512x32xf32, #tpu.memory_space<vmem>>, vector<512x32xf32>
    %concatenate3A = tpu.concatenate %get3A_2, %broadcast_in_dim3A_0 in 1 : vector<512x32xf32>, vector<512x96xf32> -> vector<512x128xf32>
    %broadcast_in_dim3A_3 = arith.constant 0.000000e+00 : f32
    %broadcast_in_dim3A_4 = vector.broadcast %broadcast_in_dim3A_3 : f32 to vector<1x96xf32>
    %get3A_5 = arith.constant 0 : index
    %get3A_6 = arith.constant 0 : index
    %get3A_7 = vector.load %arg3[%get3A_5, %get3A_6] : memref<1x32xf32, #tpu.memory_space<vmem>>, vector<1x32xf32>
    %concatenate3A_8 = tpu.concatenate %get3A_7, %broadcast_in_dim3A_4 in 1 : vector<1x32xf32>, vector<1x96xf32> -> vector<1x128xf32>
    %get3A_9 = arith.constant 0 : index
    %get3A_10 = arith.constant 0 : index
    %get3A_11 = vector.load %arg1[%get3A_9, %get3A_10] : memref<2048x512xf32, #tpu.memory_space<vmem>>, vector<2048x512xf32>
    %convert_element_type3A = arith.truncf %get3A_11 : vector<2048x512xf32> to vector<2048x512xbf16>
    %convert_element_type3A_12 = arith.truncf %concatenate3A : vector<512x128xf32> to vector<512x128xbf16>
    %dot_general3A = arith.constant dense<0.000000e+00> : vector<2048x128xf32>
    %dot_general3A_13 = tpu.matmul %convert_element_type3A, %convert_element_type3A_12, %dot_general3A {dimension_numbers = #tpu.dot_dimension_numbers<[1], [0], [0], [1], [0, 0, 1, 1], [], []>, transpose_lhs_hint = false} : vector<2048x512xbf16>, vector<512x128xbf16>, vector<2048x128xf32> -> vector<2048x128xf32>
    %add3A = vector.broadcast %concatenate3A_8 : vector<1x128xf32> to vector<2048x128xf32>
    %add3A_14 = arith.addf %dot_general3A_13, %add3A : vector<2048x128xf32>
    %convert_element_type3A_15 = arith.truncf %add3A_14 : vector<2048x128xf32> to vector<2048x128xbf16>
    %swap3A = arith.constant 0 : index
    %swap3A_16 = arith.constant 0 : index
    %swap3A_17 = vector.load %arg4[%swap3A, %swap3A_16] : memref<2048x128xbf16, #tpu.memory_space<vmem>>, vector<2048x128xbf16>
    tpu.vector_store %arg4[%swap3A, %swap3A_16], %convert_element_type3A_15 {strides = array<i32>} : memref<2048x128xbf16, #tpu.memory_space<vmem>>, vector<2048x128xbf16>,
    return
  }
  func.func @transform_0(%arg0: i32) -> (i32, i32) {
    %c0_i32 = arith.constant 0 : i32
    %c0_i32_0 = arith.constant 0 : i32
    return %arg0, %c0_i32 : i32, i32
  }
  func.func @transform_1(%arg0: i32) -> (i32, i32) {
    %c0_i32 = arith.constant 0 : i32
    %c0_i32_0 = arith.constant 0 : i32
    %c0_i32_1 = arith.constant 0 : i32
    return %c0_i32, %c0_i32_0 : i32, i32
  }
  func.func @transform_2(%arg0: i32) -> (i32, i32) {
    %c0_i32 = arith.constant 0 : i32
    %c0_i32_0 = arith.constant 0 : i32
    %c0_i32_1 = arith.constant 0 : i32
    return %c0_i32, %c0_i32_0 : i32, i32
  }
  func.func @transform_3(%arg0: i32) -> (i32, i32) {
    %c0_i32 = arith.constant 0 : i32
    %c0_i32_0 = arith.constant 0 : i32
    return %arg0, %c0_i32 : i32, i32
  }
}

module attributes {stable_mosaic.version = 14 : i64} {
  func.func @_mlp_body(%arg0: i32, %arg1: memref<8x16384xf32, #tpu.memory_space<vmem>>, %arg2: memref<8x2048xf32, #tpu.memory_space<vmem>>, %arg3: memref<2048x128xbf16, #tpu.memory_space<vmem>>, %arg4: memref<2048x128xf32, #tpu.memory_space<vmem>>, %arg5: memref<1x32xf32, #tpu.memory_space<vmem>>, %arg6: memref<1x32xf32, #tpu.memory_space<vmem>>, %arg7: memref<288x256xf32, #tpu.memory_space<vmem>>, %arg8: memref<128x256xf32, #tpu.memory_space<vmem>>, %arg9: memref<128x256xf32, #tpu.memory_space<vmem>>, %arg10: memref<1x256xf32, #tpu.memory_space<vmem>>, %arg11: memref<256x64xf32, #tpu.memory_space<vmem>>, %arg12: memref<1x64xf32, #tpu.memory_space<vmem>>, %arg13: memref<64x1xf32, #tpu.memory_space<vmem>>, %arg14: memref<1x1xf32, #tpu.memory_space<vmem>>, %arg15: memref<2048xf32, #tpu.memory_space<vmem>>) attributes {dimension_semantics = [#tpu.dimension_semantics<arbitrary>], iteration_bounds = array<i64: 8>, scalar_prefetch = 0 : i64, scratch_operands = 0 : i64, tpu.core_type = #tpu.core_type<tc>, window_params = [{pipeline_mode = #tpu.pipeline_mode<synchronous>, transform_indices = @transform_0, window_bounds = array<i64: 8, 16384>}, {transform_indices = @transform_1, window_bounds = array<i64: 8, 2048>}, {transform_indices = @transform_2, window_bounds = array<i64: 2048, 128>}, {transform_indices = @transform_3, window_bounds = array<i64: 2048, 128>}, {pipeline_mode = #tpu.pipeline_mode<synchronous>, transform_indices = @transform_4, window_bounds = array<i64: 1, 32>}, {pipeline_mode = #tpu.pipeline_mode<synchronous>, transform_indices = @transform_5, window_bounds = array<i64: 1, 32>}, {pipeline_mode = #tpu.pipeline_mode<synchronous>, transform_indices = @transform_6, window_bounds = array<i64: 288, 256>}, {pipeline_mode = #tpu.pipeline_mode<synchronous>, transform_indices = @transform_7, window_bounds = array<i64: 128, 256>}, {pipeline_mode = #tpu.pipeline_mode<synchronous>, transform_indices = @transform_8, window_bounds = array<i64: 128, 256>}, {pipeline_mode = #tpu.pipeline_mode<synchronous>, transform_indices = @transform_9, window_bounds = array<i64: 1, 256>}, {pipeline_mode = #tpu.pipeline_mode<synchronous>, transform_indices = @transform_10, window_bounds = array<i64: 256, 64>}, {pipeline_mode = #tpu.pipeline_mode<synchronous>, transform_indices = @transform_11, window_bounds = array<i64: 1, 64>}, {pipeline_mode = #tpu.pipeline_mode<synchronous>, transform_indices = @transform_12, window_bounds = array<i64: 64, 1>}, {pipeline_mode = #tpu.pipeline_mode<synchronous>, transform_indices = @transform_13, window_bounds = array<i64: 1, 1>}, {transform_indices = @transform_14, window_bounds = array<i64: 2048>}]} {
    %get3A = arith.constant 0 : index
    %get3A_0 = arith.constant 0 : index
    %get3A_1 = vector.load %arg7[%get3A, %get3A_0] : memref<288x256xf32, #tpu.memory_space<vmem>>, vector<288x256xf32>
    %get3A_2 = arith.constant 0 : index
    %get3A_3 = arith.constant 0 : index
    %get3A_4 = vector.load %arg5[%get3A_2, %get3A_3] : memref<1x32xf32, #tpu.memory_space<vmem>>, vector<1x32xf32>
    %get3A_5 = arith.constant 0 : index
    %get3A_6 = arith.constant 0 : index
    %get3A_7 = vector.load %arg6[%get3A_5, %get3A_6] : memref<1x32xf32, #tpu.memory_space<vmem>>, vector<1x32xf32>
    %get3A_8 = arith.constant 0 : index
    %get3A_9 = arith.constant 0 : index
    %get3A_10 = vector.load %arg4[%get3A_8, %get3A_9] : memref<2048x128xf32, #tpu.memory_space<vmem>>, vector<2048x128xf32>
    %get3A_11 = arith.constant 0 : index
    %get3A_12 = arith.constant 0 : index
    %get3A_13 = vector.load %arg8[%get3A_11, %get3A_12] : memref<128x256xf32, #tpu.memory_space<vmem>>, vector<128x256xf32>
    %convert_element_type3A = arith.truncf %get3A_10 : vector<2048x128xf32> to vector<2048x128xbf16>
    %convert_element_type3A_14 = arith.truncf %get3A_13 : vector<128x256xf32> to vector<128x256xbf16>
    %dot_general3A = arith.constant dense<0.000000e+00> : vector<2048x256xf32>
    %dot_general3A_15 = tpu.matmul %convert_element_type3A, %convert_element_type3A_14, %dot_general3A {dimension_numbers = #tpu.dot_dimension_numbers<[1], [0], [0], [1], [0, 0, 1, 1], [], []>, transpose_lhs_hint = false} : vector<2048x128xbf16>, vector<128x256xbf16>, vector<2048x256xf32> -> vector<2048x256xf32>
    %get3A_16 = arith.constant 0 : index
    %get3A_17 = arith.constant 0 : index
    %get3A_18 = vector.load %arg3[%get3A_16, %get3A_17] : memref<2048x128xbf16, #tpu.memory_space<vmem>>, vector<2048x128xbf16>
    %get3A_19 = arith.constant 0 : index
    %get3A_20 = arith.constant 0 : index
    %get3A_21 = vector.load %arg9[%get3A_19, %get3A_20] : memref<128x256xf32, #tpu.memory_space<vmem>>, vector<128x256xf32>
    %convert_element_type3A_22 = arith.truncf %get3A_21 : vector<128x256xf32> to vector<128x256xbf16>
    %dot_general3A_23 = arith.constant dense<0.000000e+00> : vector<2048x256xf32>
    %dot_general3A_24 = tpu.matmul %get3A_18, %convert_element_type3A_22, %dot_general3A_23 {dimension_numbers = #tpu.dot_dimension_numbers<[1], [0], [0], [1], [0, 0, 1, 1], [], []>, transpose_lhs_hint = false} : vector<2048x128xbf16>, vector<128x256xbf16>, vector<2048x256xf32> -> vector<2048x256xf32>
    %add3A = arith.addf %dot_general3A_15, %dot_general3A_24 : vector<2048x256xf32>
    %slice3A = vector.extract_strided_slice %get3A_1 {offsets = [32, 0], sizes = [32, 256], strides = [1, 1]} : vector<288x256xf32> to vector<32x256xf32>
    %slice3A_25 = vector.extract_strided_slice %get3A_1 {offsets = [64, 0], sizes = [32, 256], strides = [1, 1]} : vector<288x256xf32> to vector<32x256xf32>
    %slice3A_26 = vector.extract_strided_slice %get3A_1 {offsets = [192, 0], sizes = [32, 256], strides = [1, 1]} : vector<288x256xf32> to vector<32x256xf32>
    %slice3A_27 = vector.extract_strided_slice %get3A_1 {offsets = [224, 0], sizes = [32, 256], strides = [1, 1]} : vector<288x256xf32> to vector<32x256xf32>
    %dot_general3A_28 = arith.constant dense<0.000000e+00> : vector<1x256xf32>
    %dot_general3A_29 = tpu.matmul %get3A_4, %slice3A, %dot_general3A_28 {dimension_numbers = #tpu.dot_dimension_numbers<[1], [0], [0], [1], [0, 0, 1, 1], [], []>, transpose_lhs_hint = false} : vector<1x32xf32>, vector<32x256xf32>, vector<1x256xf32> -> vector<1x256xf32>
    %dot_general3A_30 = arith.constant dense<0.000000e+00> : vector<1x256xf32>
    %dot_general3A_31 = tpu.matmul %get3A_4, %slice3A_25, %dot_general3A_30 {dimension_numbers = #tpu.dot_dimension_numbers<[1], [0], [0], [1], [0, 0, 1, 1], [], []>, transpose_lhs_hint = false} : vector<1x32xf32>, vector<32x256xf32>, vector<1x256xf32> -> vector<1x256xf32>
    %dot_general3A_32 = arith.constant dense<0.000000e+00> : vector<1x256xf32>
    %dot_general3A_33 = tpu.matmul %get3A_4, %slice3A_26, %dot_general3A_32 {dimension_numbers = #tpu.dot_dimension_numbers<[1], [0], [0], [1], [0, 0, 1, 1], [], []>, transpose_lhs_hint = false} : vector<1x32xf32>, vector<32x256xf32>, vector<1x256xf32> -> vector<1x256xf32>
    %dot_general3A_34 = arith.constant dense<0.000000e+00> : vector<1x256xf32>
    %dot_general3A_35 = tpu.matmul %get3A_4, %slice3A_27, %dot_general3A_34 {dimension_numbers = #tpu.dot_dimension_numbers<[1], [0], [0], [1], [0, 0, 1, 1], [], []>, transpose_lhs_hint = false} : vector<1x32xf32>, vector<32x256xf32>, vector<1x256xf32> -> vector<1x256xf32>
    %concatenate3A = tpu.concatenate %dot_general3A_29, %dot_general3A_31, %dot_general3A_33, %dot_general3A_35 in 0 : vector<1x256xf32>, vector<1x256xf32>, vector<1x256xf32>, vector<1x256xf32> -> vector<4x256xf32>
    %get3A_36 = arith.constant 0 : index
    %get3A_37 = arith.constant 0 : index
    %get3A_38 = vector.load %arg2[%get3A_36, %get3A_37] : memref<8x2048xf32, #tpu.memory_space<vmem>>, vector<8x2048xf32>
    %slice3A_39 = vector.extract_strided_slice %get3A_38 {offsets = [0, 0], sizes = [4, 2048], strides = [1, 1]} : vector<8x2048xf32> to vector<4x2048xf32>
    %get3A_40 = arith.constant 0 : index
    %get3A_41 = arith.constant 0 : index
    %get3A_42 = vector.load %arg1[%get3A_40, %get3A_41] : memref<8x16384xf32, #tpu.memory_space<vmem>>, vector<8x16384xf32>
    %slice3A_43 = vector.extract_strided_slice %get3A_42 {offsets = [0, 0], sizes = [4, 16384], strides = [1, 1]} : vector<8x16384xf32> to vector<4x16384xf32>
    %reduce_min3A = arith.constant dense<0x7F800000> : vector<4xf32>
    %reduce_min3A_44 = vector.multi_reduction <minimumf>, %slice3A_43, %reduce_min3A [1] : vector<4x16384xf32> to vector<4xf32>
    %broadcast_in_dim3A = vector.shape_cast %reduce_min3A_44 : vector<4xf32> to vector<4x1xf32>
    %reduce_max3A = arith.constant dense<0xFF800000> : vector<4xf32>
    %reduce_max3A_45 = vector.multi_reduction <maximumf>, %slice3A_43, %reduce_max3A [1] : vector<4x16384xf32> to vector<4xf32>
    %broadcast_in_dim3A_46 = vector.shape_cast %reduce_max3A_45 : vector<4xf32> to vector<4x1xf32>
    %sub3A = vector.broadcast %broadcast_in_dim3A : vector<4x1xf32> to vector<4x2048xf32>
    %sub3A_47 = arith.subf %slice3A_39, %sub3A : vector<4x2048xf32>
    %sub3A_48 = arith.subf %broadcast_in_dim3A_46, %broadcast_in_dim3A : vector<4x1xf32>
    %add3A_49 = arith.constant 9.99999993E-9 : f32
    %add3A_50 = vector.broadcast %add3A_49 : f32 to vector<4x1xf32>
    %add3A_51 = arith.addf %sub3A_48, %add3A_50 : vector<4x1xf32>
    %div3A = vector.broadcast %add3A_51 : vector<4x1xf32> to vector<4x2048xf32>
    %div3A_52 = arith.divf %sub3A_47, %div3A : vector<4x2048xf32>
    %dot_general3A_53 = arith.constant dense<0.000000e+00> : vector<2048x256xf32>
    %dot_general3A_54 = tpu.matmul %div3A_52, %concatenate3A, %dot_general3A_53 {dimension_numbers = #tpu.dot_dimension_numbers<[0], [0], [1], [1], [0, 1, 1, 1], [], []>, transpose_lhs_hint = false} : vector<4x2048xf32>, vector<4x256xf32>, vector<2048x256xf32> -> vector<2048x256xf32>
    %add3A_55 = arith.addf %add3A, %dot_general3A_54 : vector<2048x256xf32>
    %add3A_56 = arith.addf %slice3A, %slice3A_25 : vector<32x256xf32>
    %add3A_57 = arith.addf %add3A_56, %slice3A_26 : vector<32x256xf32>
    %add3A_58 = arith.addf %add3A_57, %slice3A_27 : vector<32x256xf32>
    %dot_general3A_59 = arith.constant dense<0.000000e+00> : vector<1x256xf32>
    %dot_general3A_60 = tpu.matmul %get3A_7, %add3A_58, %dot_general3A_59 {dimension_numbers = #tpu.dot_dimension_numbers<[1], [0], [0], [1], [0, 0, 1, 1], [], []>, transpose_lhs_hint = false} : vector<1x32xf32>, vector<32x256xf32>, vector<1x256xf32> -> vector<1x256xf32>
    %add3A_61 = vector.broadcast %dot_general3A_60 : vector<1x256xf32> to vector<2048x256xf32>
    %add3A_62 = arith.addf %add3A_55, %add3A_61 : vector<2048x256xf32>
    %get3A_63 = arith.constant 0 : index
    %get3A_64 = arith.constant 0 : index
    %get3A_65 = vector.load %arg10[%get3A_63, %get3A_64] : memref<1x256xf32, #tpu.memory_space<vmem>>, vector<1x256xf32>
    %add3A_66 = vector.broadcast %get3A_65 : vector<1x256xf32> to vector<2048x256xf32>
    %add3A_67 = arith.addf %add3A_62, %add3A_66 : vector<2048x256xf32>
    %max3A = arith.constant 0.000000e+00 : f32
    %max3A_68 = vector.broadcast %max3A : f32 to vector<2048x256xf32>
    %max3A_69 = arith.maximumf %add3A_67, %max3A_68 : vector<2048x256xf32>
    %get3A_70 = arith.constant 0 : index
    %get3A_71 = arith.constant 0 : index
    %get3A_72 = vector.load %arg11[%get3A_70, %get3A_71] : memref<256x64xf32, #tpu.memory_space<vmem>>, vector<256x64xf32>
    %dot_general3A_73 = arith.constant dense<0.000000e+00> : vector<2048x64xf32>
    %dot_general3A_74 = tpu.matmul %max3A_69, %get3A_72, %dot_general3A_73 {dimension_numbers = #tpu.dot_dimension_numbers<[1], [0], [0], [1], [0, 0, 1, 1], [], []>, transpose_lhs_hint = false} : vector<2048x256xf32>, vector<256x64xf32>, vector<2048x64xf32> -> vector<2048x64xf32>
    %get3A_75 = arith.constant 0 : index
    %get3A_76 = arith.constant 0 : index
    %get3A_77 = vector.load %arg12[%get3A_75, %get3A_76] : memref<1x64xf32, #tpu.memory_space<vmem>>, vector<1x64xf32>
    %add3A_78 = vector.broadcast %get3A_77 : vector<1x64xf32> to vector<2048x64xf32>
    %add3A_79 = arith.addf %dot_general3A_74, %add3A_78 : vector<2048x64xf32>
    %max3A_80 = arith.constant 0.000000e+00 : f32
    %max3A_81 = vector.broadcast %max3A_80 : f32 to vector<2048x64xf32>
    %max3A_82 = arith.maximumf %add3A_79, %max3A_81 : vector<2048x64xf32>
    %get3A_83 = arith.constant 0 : index
    %get3A_84 = arith.constant 0 : index
    %get3A_85 = vector.load %arg13[%get3A_83, %get3A_84] : memref<64x1xf32, #tpu.memory_space<vmem>>, vector<64x1xf32>
    %dot_general3A_86 = arith.constant dense<0.000000e+00> : vector<2048x1xf32>
    %dot_general3A_87 = tpu.matmul %max3A_82, %get3A_85, %dot_general3A_86 {dimension_numbers = #tpu.dot_dimension_numbers<[1], [0], [0], [1], [0, 0, 1, 1], [], []>, transpose_lhs_hint = false} : vector<2048x64xf32>, vector<64x1xf32>, vector<2048x1xf32> -> vector<2048x1xf32>
    %get3A_88 = arith.constant 0 : index
    %get3A_89 = arith.constant 0 : index
    %get3A_90 = vector.load %arg14[%get3A_88, %get3A_89] : memref<1x1xf32, #tpu.memory_space<vmem>>, vector<1x1xf32>
    %add3A_91 = vector.broadcast %get3A_90 : vector<1x1xf32> to vector<2048x1xf32>
    %add3A_92 = arith.addf %dot_general3A_87, %add3A_91 : vector<2048x1xf32>
    %reshape3A = vector.shape_cast %add3A_92 : vector<2048x1xf32> to vector<2048xf32>
    %swap3A = arith.constant 0 : index
    %swap3A_93 = vector.load %arg15[%swap3A] : memref<2048xf32, #tpu.memory_space<vmem>>, vector<2048xf32>
    tpu.vector_store %arg15[%swap3A], %reshape3A {strides = array<i32>} : memref<2048xf32, #tpu.memory_space<vmem>>, vector<2048xf32>,
    return
  }
  func.func @transform_0(%arg0: i32) -> (i32, i32) {
    %c0_i32 = arith.constant 0 : i32
    %c0_i32_0 = arith.constant 0 : i32
    %c0_i32_1 = arith.constant 0 : i32
    return %c0_i32, %c0_i32_0 : i32, i32
  }
  func.func @transform_1(%arg0: i32) -> (i32, i32) {
    %c0_i32 = arith.constant 0 : i32
    %c0_i32_0 = arith.constant 0 : i32
    return %c0_i32, %arg0 : i32, i32
  }
  func.func @transform_2(%arg0: i32) -> (i32, i32) {
    %c0_i32 = arith.constant 0 : i32
    %c0_i32_0 = arith.constant 0 : i32
    return %arg0, %c0_i32 : i32, i32
  }
  func.func @transform_3(%arg0: i32) -> (i32, i32) {
    %c0_i32 = arith.constant 0 : i32
    %c0_i32_0 = arith.constant 0 : i32
    return %arg0, %c0_i32 : i32, i32
  }
  func.func @transform_4(%arg0: i32) -> (i32, i32) {
    %c0_i32 = arith.constant 0 : i32
    %c0_i32_0 = arith.constant 0 : i32
    %c0_i32_1 = arith.constant 0 : i32
    return %c0_i32, %c0_i32_0 : i32, i32
  }
  func.func @transform_5(%arg0: i32) -> (i32, i32) {
    %c0_i32 = arith.constant 0 : i32
    %c0_i32_0 = arith.constant 0 : i32
    %c0_i32_1 = arith.constant 0 : i32
    return %c0_i32, %c0_i32_0 : i32, i32
  }
  func.func @transform_6(%arg0: i32) -> (i32, i32) {
    %c0_i32 = arith.constant 0 : i32
    %c0_i32_0 = arith.constant 0 : i32
    %c0_i32_1 = arith.constant 0 : i32
    return %c0_i32, %c0_i32_0 : i32, i32
  }
  func.func @transform_7(%arg0: i32) -> (i32, i32) {
    %c0_i32 = arith.constant 0 : i32
    %c0_i32_0 = arith.constant 0 : i32
    %c0_i32_1 = arith.constant 0 : i32
    return %c0_i32, %c0_i32_0 : i32, i32
  }
  func.func @transform_8(%arg0: i32) -> (i32, i32) {
    %c0_i32 = arith.constant 0 : i32
    %c0_i32_0 = arith.constant 0 : i32
    %c0_i32_1 = arith.constant 0 : i32
    return %c0_i32, %c0_i32_0 : i32, i32
  }
  func.func @transform_9(%arg0: i32) -> (i32, i32) {
    %c0_i32 = arith.constant 0 : i32
    %c0_i32_0 = arith.constant 0 : i32
    %c0_i32_1 = arith.constant 0 : i32
    return %c0_i32, %c0_i32_0 : i32, i32
  }
  func.func @transform_10(%arg0: i32) -> (i32, i32) {
    %c0_i32 = arith.constant 0 : i32
    %c0_i32_0 = arith.constant 0 : i32
    %c0_i32_1 = arith.constant 0 : i32
    return %c0_i32, %c0_i32_0 : i32, i32
  }
  func.func @transform_11(%arg0: i32) -> (i32, i32) {
    %c0_i32 = arith.constant 0 : i32
    %c0_i32_0 = arith.constant 0 : i32
    %c0_i32_1 = arith.constant 0 : i32
    return %c0_i32, %c0_i32_0 : i32, i32
  }
  func.func @transform_12(%arg0: i32) -> (i32, i32) {
    %c0_i32 = arith.constant 0 : i32
    %c0_i32_0 = arith.constant 0 : i32
    %c0_i32_1 = arith.constant 0 : i32
    return %c0_i32, %c0_i32_0 : i32, i32
  }
  func.func @transform_13(%arg0: i32) -> (i32, i32) {
    %c0_i32 = arith.constant 0 : i32
    %c0_i32_0 = arith.constant 0 : i32
    %c0_i32_1 = arith.constant 0 : i32
    return %c0_i32, %c0_i32_0 : i32, i32
  }
  func.func @transform_14(%arg0: i32) -> i32 {
    %c0_i32 = arith.constant 0 : i32
    return %arg0 : i32
  }
}

</mosaic_0001>

<sc_bundles>
// kernel: kernel.5.cloned.1.call-start
scs
__scs_entry_jumppad:
0x0: {  	(pc) =	sbr.rel $0x88, $3  }
0x1: {  	(tag) =	ssettag $0x0;
	lr =	simm.s32 $0x1  }
0x2: {  	[smem:$0x3F8A] =	sst lr;
	_ =	strace $0xD0000000  }
0x3: {  	_ = 	snop  }
0x4: {  	_ = 	snop  }
0x5: {  	_ = 	snop  }
0x6: {  	_ = 	snop  }
0x7: {  	_ = 	snop  }
__scs_overlays_trampoline_lowered:
0x8: {  	[smem:$0x3F99] =	sst s0  }
0x9: {  	[smem:$0x3F9A] =	sst s1  }
0xa: {  	[smem:$0x3F9B] =	sst s2  }
0xb: {  	[smem:$0x3F9C] =	sst s3  }
0xc: {  	[smem:$0x3F9D] =	sst s4  }
0xd: {  	[smem:$0x3F9E] =	sst s5  }
0xe: {  	[smem:$0x3F9F] =	sst s6  }
0xf: {  	[smem:$0x3FA0] =	sst s7  }
0x10: {  	[smem:$0x3FA1] =	sst s8  }
0x11: {  	[smem:$0x3FA2] =	sst s9;
	s0 =	simm.s32 @!p0 $0x0  }
0x12: {  	s1 =	sld [smem:$0x3F88];
	s0 =	simm.s32 @p0 $0x1  }
0x13: {  	[smem:$0x3FA3] =	sst s0;
	s0 =	simm.s32 @!p1 $0x0  }
0x14: {  	s2 =	sld [smem:$0x3F87];
	s0 =	simm.s32 @p1 $0x1  }
0x15: {  	[smem:$0x3FA4] =	sst s0;
	s0 =	simm.s32 @!p2 $0x0  }
0x16: {  	s3 =	sld [smem:$0x3FDB];
	s0 =	simm.s32 @p2 $0x1  }
0x17: {  	s4 =	simm.s32 $0x1BF5;
	[smem:$0x3FA6] =	sst s0  }
0x18: {  	s0 =	sld [smem:$0x3F89];
	_ =	swait.ge [sflag:s4], $0x0  }
0x19: {  	s7 =	sld [smem:$0x3F8A]  }
0x1a: {  	s8 =	sadd.s32 $0xFFFFE003, lr  }
0x1b: {  	s9 =	sadd.s32 $0xFFFFFEF7, lr;
	s5 =	simm.s32 $0xFFFFFFFF;
	p2 =	slt.u32 s8, $0xFFFFF086  }
0x1c: {  	p1 =	slt.u32 s9, $0xF7A;
	s5 =	simm.s32 @!p2 $0x0  }
0x1d: {  	s5 =	simm.s32 @p1 $0x1;
	p0 =	seq.s32 s7, s2  }
0x1e: {  	s7 =	smul.u32 @!p0 $0xF7A, s2;
	p2 =	seq.s32 @!p0 s5, $0x0  }
0x1f: {  	s9 =	smul.u32 $0xF7A, s1;
	s8 =	simm.s32 @!p0 $0x1BF5;
	p2 =	por !p2, p0  }
0x20: {  	[sflag:s8] =	ssyncset.s32 @!p0 $0xFFFFF086;
	s6 =	sadd.s32 @!p0 s3, s7;
	s7 =	simm.s32 @!p0 $0x108  }
0x21: {  	s3 =	sadd.s32 s3, s9;
	s6 =	sadd.s32 @!p0 $0x88, s6;
	s7 =	simm.s32 @p2 $0x1082  }
0x22: {  	[simem:s7], [sflag:s8] =	dma.local @!p0 [hbm:s6], $0xF7A  }
0x23: {  	s9 =	sor.u32 $0xD0000000, s2;
	s6 =	simm.s32 $0x108;
	_ =	swait.ge @!p0 [sflag:s8], $0x0  }
0x24: {  	s3 =	sadd.s32 $0x88, s3;
	s6 =	simm.s32 @!p1 $0x1082;
	[sflag:s4] =	ssyncset.s32 $0xFFFFF086  }
0x25: {  	[simem:s6], [sflag:s4] =	dma.local [hbm:s3], $0xF7A  }
0x26: {  	[smem:$0x3F8A] =	sst s1;
	(tag) =	ssettag s2;
	_ =	strace s9  }
0x27: {  	s1 =	sld [smem:$0x3F9A]  }
0x28: {  	s2 =	sld [smem:$0x3F9B]  }
0x29: {  	s4 =	sld [smem:$0x3F9D]  }
0x2a: {  	p0 =	seq.s32 s5, $0x0;
	s5 =	sld [smem:$0x3F9E]  }
0x2b: {  	s6 =	sld [smem:$0x3F9F]  }
0x2c: {  	s7 =	sld [smem:$0x3FA0]  }
0x2d: {  	s3 =	simm.s32 $0x108;
	s8 =	sld [smem:$0x3FA1]  }
0x2e: {  	s3 =	simm.s32 @!p0 $0x1082;
	s9 =	sld [smem:$0x3FA2]  }
0x2f: {  	lr =	sadd.s32 s0, s3;
	s0 =	sld [smem:$0x3F99]  }
0x30: {  	s3 =	sld [smem:$0x3F9C]  }
0x31: {  	[smem:$0x3FA5] =	sst s10  }
0x32: {  	s10 =	sld [smem:$0x3FA3];
	_ =	sdelay $0x3  }
0x33: {  	p0 =	seq.s32 s10, $0x1;
	s10 =	sld [smem:$0x3FA5];
	_ =	sdelay $0x3  }
0x34: {  	[smem:$0x3FA5] =	sst s10  }
0x35: {  	s10 =	sld [smem:$0x3FA4];
	_ =	sdelay $0x3  }
0x36: {  	p1 =	seq.s32 s10, $0x1;
	s10 =	sld [smem:$0x3FA5];
	_ =	sdelay $0x3  }
0x37: {  	[smem:$0x3FA5] =	sst s10  }
0x38: {  	s10 =	sld [smem:$0x3FA6]  }
0x39: {  	_ = 	snop;
	(pc) =	sbr.ind lr, $3  }
0x3a: {  	_ = 	snop  }
0x3b: {  	_ = 	snop  }
0x3c: {  	p2 =	seq.s32 s10, $0x1;
	s10 =	sld [smem:$0x3FA5]  }
0x3d: {  	_ =	shalt  }
0x3e: {  	_ =	shalt  }
0x3f: {  	_ =	shalt  }
0x40: {  	_ =	shalt  }
0x41: {  	_ =	shalt  }
0x42: {  	_ =	shalt  }
0x43: {  	_ =	shalt  }
0x44: {  	_ =	shalt  }
0x45: {  	_ =	shalt  }
0x46: {  	_ =	shalt  }
0x47: {  	_ =	shalt  }
0x48: {  	_ =	shalt  }
0x49: {  	_ =	shalt  }
0x4a: {  	_ =	shalt  }
0x4b: {  	_ =	shalt  }
0x4c: {  	_ =	shalt  }
0x4d: {  	_ =	shalt  }
0x4e: {  	_ =	shalt  }
0x4f: {  	_ =	shalt  }
0x50: {  	_ =	shalt  }
0x51: {  	_ =	shalt  }
0x52: {  	_ =	shalt  }
0x53: {  	_ =	shalt  }
0x54: {  	_ =	shalt  }
0x55: {  	_ =	shalt  }
0x56: {  	_ =	shalt  }
0x57: {  	_ =	shalt  }
0x58: {  	_ =	shalt  }
0x59: {  	_ =	shalt  }
0x5a: {  	_ =	shalt  }
0x5b: {  	_ =	shalt  }
0x5c: {  	_ =	shalt  }
0x5d: {  	_ =	shalt  }
0x5e: {  	_ =	shalt  }
0x5f: {  	_ =	shalt  }
0x60: {  	_ =	shalt  }
0x61: {  	_ =	shalt  }
0x62: {  	_ =	shalt  }
0x63: {  	_ =	shalt  }
0x64: {  	_ =	shalt  }
0x65: {  	_ =	shalt  }
0x66: {  	_ =	shalt  }
0x67: {  	_ =	shalt  }
0x68: {  	_ =	shalt  }
0x69: {  	_ =	shalt  }
0x6a: {  	_ =	shalt  }
0x6b: {  	_ =	shalt  }
0x6c: {  	_ =	shalt  }
0x6d: {  	_ =	shalt  }
0x6e: {  	_ =	shalt  }
0x6f: {  	_ =	shalt  }
0x70: {  	_ =	shalt  }
0x71: {  	_ =	shalt  }
0x72: {  	_ =	shalt  }
0x73: {  	_ =	shalt  }
0x74: {  	_ =	shalt  }
0x75: {  	_ =	shalt  }
0x76: {  	_ =	shalt  }
0x77: {  	_ =	shalt  }
0x78: {  	_ =	shalt  }
0x79: {  	_ =	shalt  }
0x7a: {  	_ =	shalt  }
0x7b: {  	_ =	shalt  }
0x7c: {  	_ =	shalt  }
0x7d: {  	_ =	shalt  }
0x7e: {  	_ =	shalt  }
0x7f: {  	_ =	shalt  }
0x80: {  	_ =	shalt  }
0x81: {  	_ =	shalt  }
0x82: {  	_ =	shalt  }
0x83: {  	_ =	shalt  }
0x84: {  	_ =	shalt  }
0x85: {  	_ =	shalt  }
0x86: {  	_ =	shalt  }
0x87: {  	_ =	shalt  }
.Lfunc_end0:
.L_simem_size_0:
called_computation_lowered:
.L_overlay_start_0:
0x88: {  	s2 =	sld [smem:$0x3FD9]  }
0x89: {  	s3 =	sld [smem:$0x3FFE];
	_ =	sdelay $0x1  }
0x8a: {  	s1 =	srdreg.scid  }
0x8b: {  	s0 =	sand.u32 $0x1, s1  }
0x8c: {  	s17 =	sshll.u32 s0, $0xA;
	s2 =	sadd.s32 s3, s2  }
0x8d: {  	s2 =	sadd.s32 s2, s17  }
0x8e: {  	[smem:$0x3FB1] =	sst s2  }
0x8f: {  	_ = 	snop  }
0x90: {  	s2 =	sld [smem:$0x3FC9]  }
0x91: {  	s18 =	sld [smem:$0x3FC8]  }
0x92: {  	s4 =	sld [smem:$0x3FC7]  }
0x93: {  	s5 =	sld [smem:$0x3FC6]  }
0x94: {  	s6 =	sld [smem:$0x3FC4]  }
0x95: {  	s7 =	sld [smem:$0x3FC3]  }
0x96: {  	s8 =	sld [smem:$0x3FC2]  }
0x97: {  	s9 =	sld [smem:$0x3FC1]  }
0x98: {  	s10 =	sld [smem:$0x3FD0];
	(tm) =	ssettm $0x1  }
0x99: {  	s11 =	sld [smem:$0x3FFB];
	_ =	sdelay $0x3  }
0x9a: {  	_ =	strace s11  }
0x9b: {  	s11 =	sld [smem:$0x3FFC];
	_ =	sdelay $0x3  }
0x9c: {  	_ =	strace s11  }
0x9d: {  	s11 =	sld [smem:$0x3FFD];
	_ =	sdelay $0x3  }
0x9e: {  	_ =	strace s11  }
0x9f: {  	_ =	strace $0x8FFFFFFF  }
0xa0: {  	s19 =	sld [smem:$0x3FDB];
	_ =	sdelay $0x1  }
0xa1: {  	s12 =	simm.s32 $_scs_section_size  }
0xa2: {  	s13 =	simm.s32 $_size__tile_overlayer_lowered;
	s14 =	simm.s32 $_tile_overlayer_lowered  }
0xa3: {  	s22 =	simm.s32 $0x1BFF;
	s21 =	sshll.u32 s14, $0x1;
	s11 =	sadd.s32 s12, s19  }
0xa4: {  	s15 =	simm.s32 $0x0;
	s20 =	sshll.u32 s13, $0x1;
	s13 =	sadd.s32 s21, s11  }
0xa5: {  	[timem:s15], [sflag:s22] =	dma.local [hbm:s13], s20  }
0xa6: {  	_ =	swait.ge [sflag:s22], s20  }
0xa7: {  	s12 =	ssub.s32 $0x0, s20;
	[sflag:s22] =	ssyncset.done $0x0  }
0xa8: {  	[sflag:s22] =	ssyncadd.s32 s12;
	_ =	sdelay $0x1  }
0xa9: {  	s23 =	simm.s32 $0x1B8B  }
0xaa: {  	_ =	swait.ge [sflag:s23], $0x1  }
0xab: {  	[sflag:s23] =	ssyncset.done $0x0  }
0xac: {  	s25 =	simm.s32 $0x1B8E;
	s24 =	sld [smem:$0x3FFE];
	[sflag:s23] =	ssyncadd.s32 $0xFFFFFFFF  }
0xad: {  	s26 =	simm.s32 $execute0_lowered;
	[smem:$0x3FD2] =	sst s25  }
0xae: {  	s13 =	sshll.u32 s26, $0x1;
	_ =	strace $0x80000046;
	[dreg:$0x1] =	wrdreg $0xFFFFFFFF  }
0xaf: {  	s28 =	simm.s32 $_size_execute0_lowered;
	s11 =	sadd.s32 s11, s13;
	[dreg:$0x0] =	wrdreg $0x0  }
0xb0: {  	s13 =	sshll.u32 s28, $0x1;
	[dreg:$0x2] =	wrdreg s11  }
0xb1: {  	[dreg:$0x3] =	wrdreg s13  }
0xb2: {  	[dreg:$0x4] =	wrdreg $0xC0  }
0xb3: {  	_ =	task [dreg:s15], $0x5FFFF  }
0xb4: {  	[dreg:$0x1] =	wrdreg $0xFFFFFFFF  }
0xb5: {  	[dreg:$0x0] =	wrdreg $0x60  }
0xb6: {  	[dreg:$0x2] =	wrdreg s24  }
0xb7: {  	[dreg:$0x3] =	wrdreg s10  }
0xb8: {  	[dreg:$0x4] =	wrdreg s2  }
0xb9: {  	[dreg:$0x5] =	wrdreg s5  }
0xba: {  	[dreg:$0x6] =	wrdreg s6  }
0xbb: {  	[dreg:$0x7] =	wrdreg s9  }
0xbc: {  	[dreg:$0x8] =	wrdreg s18  }
0xbd: {  	[dreg:$0x9] =	wrdreg s4  }
0xbe: {  	[dreg:$0xa] =	wrdreg s7  }
0xbf: {  	[dreg:$0xb] =	wrdreg s8  }
0xc0: {  	[dreg:$0xc] =	wrdreg $0x9  }
0xc1: {  	_ =	task.clear_ibuf [dreg:s15], $0xDFFFF;
	_ =	strace $0x90000046  }
0xc2: {  	s29 =	simm.s32 $0x9;
	_ =	strace $0x80000048  }
0xc3: {  	_ =	swait.ge [sflag:s29], $0x1  }
0xc4: {  	[sflag:s29] =	ssyncadd.s32 $0xFFFFFFFF  }
0xc5: {  	_ =	strace $0x90000048  }
0xc6: {  	_ =	sfence  }
0xc7: {  	s30 =	sld [smem:$0x0];
	_ =	sdelay $0x2  }
0xc8: {  	s31 =	sshll.u32 s1, $0xD;
	s1 =	sshrl.u32 s1, $0x2  }
0xc9: {  	s3 =	sand.u32 $0x4000, s31;
	s1 =	sadd.s32 s1, s30  }
0xca: {  	s0 =	sor.u32 s3, s0;
	s1 =	sshll.u32 s1, $0x11  }
0xcb: {  	s0 =	sor.u32 s1, s0  }
0xcc: {  	s0 =	sadd.s32 $0x8F2B, s0  }
0xcd: {  	[sflag:s0] =	ssyncadd.remote.s32 $0x1  }
0xce: {  	_ =	sfence.sel $0xFFFF  }
0xcf: {  	[dreg:$0x0] =	wrdreg $0xFFFFFFFF;
	(pc) =	sbr.abs _section_cstart, $3  }
0xd0: {  	[dreg:$0x1] =	wrdreg $0xFFFFFFFF  }
0xd1: {  	_ =	task.clear_ibuf [dreg:s15], $0x2FFFF;
	_ =	strace $0x9FFFFFFF  }
0xd2: {  	(tm) =	ssettm $0x7FFFFFFF  }
0xd3: {  	_ =	shalt  }
tec
execute0_lowered:
.L_overlay_start_1:
0x0: {  	(tag) =	ssettag $0x1  }
0x1: {  	s0 =	rddreg [dreg:$0x0]  }
0x2: {  	s1 =	rddreg [dreg:$0x1]  }
0x3: {  	s21 =	rddreg [dreg:$0x2]  }
0x4: {  	s3 =	rddreg [dreg:$0x3]  }
0x5: {  	s4 =	rddreg [dreg:$0x4]  }
0x6: {  	s5 =	rddreg [dreg:$0x5]  }
0x7: {  	s6 =	rddreg [dreg:$0x6]  }
0x8: {  	s7 =	rddreg [dreg:$0x7]  }
0x9: {  	s8 =	rddreg [dreg:$0x8]  }
0xa: {  	s9 =	rddreg [dreg:$0x9]  }
0xb: {  	s2 =	simm.s32 $0x0;
	s11 =	srdreg.scid;
	s14 =	stileid.u32  }
0xc: {  	s18 =	simm.s32 $0x400;
	s16 =	simm.s32 $0x600;
	s17 =	simm.s32 $0x1  }
0xd: {  	s15 =	simm.s32 $0x800;
	p0 =	por $0x0, $0x0;
	[dreg:$0xc] =	wrdreg s1  }
0xe: {  	[smem:$0x7FF] =	sst s2;
	s10 =	sadd.s32 $0x1800, s0;
	s22 =	sand.u32 $0x1, s11  }
0xf: {  	s23 =	sadd.s32 $0x2800, s0;
	s12 =	sshll.u32 s14, $0xA;
	s24 =	sadd.s32 $0x3800, s0  }
0x10: {  	_ =	strace $0x80000047;
	[dreg:$0xb] =	wrdreg s10;
	s13 =	sshll.u32 s22, $0x9  }
0x11: {  	[dreg:$0xd] =	wrdreg s23;
	s10 =	ssub.s32 $0x2, s22;
	s12 =	sor.u32 s13, s12  }
0x12: {  	[dreg:$0xe] =	wrdreg s24;
	s26 =	sshrl.u32 s10, $0x1;
	s25 =	sshll.u32 s12, $0x4  }
0x13: {  	s12 =	sshrl.u32 s12, $0x3;
	s10 =	ssub.s32 s10, s26;
	s11 =	sadd.s32 s25, s0  }
0x14: {  	s0 =	sadd.s32 s12, s0;
	s1 =	sadd.s32 s21, s12;
	s19 =	sadd.s32 s3, s12  }
0x15: {  	s20 =	sadd.s32 s4, s12;
	s21 =	sadd.s32 s5, s12;
	s5 =	sshll.u32 s14, $0x6  }
0x16: {  	s24 =	sadd.s32 s6, s12;
	s26 =	sadd.s32 s7, s12;
	s29 =	sadd.s32 s8, s12  }
0x17: {  	s31 =	sadd.s32 s9, s12;
	s13 =	smax.u32 s10, $0x1;
	s14 =	simm.s32 $0x200  }
0x18: {  	s12 =	simm.s32 $0x8800;
	s8 =	simm.s32 $0xC800;
	s9 =	simm.s32 $0x2  }
0x19: {  	s10 =	simm.s32 $0x20;
	s3 =	simm.s32 $0x3;
	p1 =	sne.s32 s13, $0x1  }
.Ltmp0:
0x1a: {  	[dreg:$0xf] =	wrdreg s1;
	s23 =	sadd.s32 $0x3A00, s0;
	(pc) =	sbr.rel @!p1 .LBB2_3-.Ltmp0, $4  }
0x1b: {  	s22 =	sor.u32 $0x1C03, s5;
	s25 =	sadd.s32 $0x4200, s0;
	s28 =	sadd.s32 $0x4A00, s0  }
0x1c: {  	s30 =	sadd.s32 $0x5200, s0;
	s7 =	sadd.s32 $0x7A00, s11;
	s6 =	sadd.s32 $0x7A04, s11  }
0x1d: {  	s5 =	sadd.s32 $0x7A08, s11;
	s4 =	sadd.s32 $0x7A0C, s11;
	s11 =	simm.s32 $0x4800  }
0x1e: {  	s0 =	sadd.s32 $0xFFFFFFFF, s13;
	s13 =	simm.s32 $0x80;
	s1 =	rddreg [dreg:$0xf]  }
0x1f: {  	[tilespmem:s2], [sflag:$0x1] =	stream.linear.gather [hbm4b:s1+s2], $0x200, $0x38;
	[tilespmem:$0x10800] =	vst v63  }
0x20: {  	_ = 	snop  }
0x21: {  	[tilespmem:s14], [sflag:$0x1] =	stream.linear.gather [hbm4b:s19+s2], $0x200, $0x38;
	[tilespmem:$0x10800] =	vst v63  }
0x22: {  	_ = 	snop  }
0x23: {  	[tilespmem:s18], [sflag:$0x1] =	stream.linear.gather [hbm4b:s20+s2], $0x200, $0x38;
	[tilespmem:$0x10800] =	vst v63  }
0x24: {  	_ = 	snop  }
0x25: {  	[tilespmem:s16], [sflag:$0x1] =	stream.linear.gather [hbm4b:s21+s2], $0x200, $0x38;
	[tilespmem:$0x10800] =	vst v63  }
0x26: {  	[hbm:s23], [sflag:s22] =	dma.local [hbm:s24], $0x40  }
0x27: {  	[hbm:s25], [sflag:s22] =	dma.local [hbm:s26], $0x40  }
0x28: {  	[hbm:s28], [sflag:s22] =	dma.local [hbm:s29], $0x40  }
0x29: {  	[hbm:s30], [sflag:s22] =	dma.local [hbm:s31], $0x40  }
0x2a: {  	_ =	swait.ge [sflag:s17], $0x200  }
0x2b: {  	[sflag:s17] =	ssyncset.done $0x0  }
0x2c: {  	s1 =	rddreg [dreg:$0xb];
	[sflag:s17] =	ssyncadd.s32 $0xFFFFFE00  }
0x2d: {  	[tilespmem:s15], [sflag:$0x2] =	stream.indirect.gather [hbm4b:s1+s14], $0x20, s2, s14, $0xb8;
	[tilespmem:$0x10800] =	vst v63  }
0x2e: {  	_ =	swait.ge [sflag:s17], $0x200  }
0x2f: {  	[sflag:s17] =	ssyncset.done $0x0  }
0x30: {  	s1 =	rddreg [dreg:$0xc];
	[sflag:s17] =	ssyncadd.s32 $0xFFFFFE00  }
0x31: {  	[tilespmem:s11], [sflag:$0x2] =	stream.indirect.gather [hbm4b:s1+s14], $0x20, s14, s14, $0xb8;
	[tilespmem:$0x10800] =	vst v63  }
0x32: {  	_ =	swait.ge [sflag:s17], $0x200  }
0x33: {  	[sflag:s17] =	ssyncset.done $0x0  }
0x34: {  	s1 =	rddreg [dreg:$0xd];
	[sflag:s17] =	ssyncadd.s32 $0xFFFFFE00  }
0x35: {  	[tilespmem:s12], [sflag:$0x2] =	stream.indirect.gather [hbm4b:s1+s14], $0x20, s18, s14, $0xb8;
	[tilespmem:$0x10800] =	vst v63  }
0x36: {  	_ =	swait.ge [sflag:s17], $0x200  }
0x37: {  	[sflag:s17] =	ssyncset.done $0x0  }
0x38: {  	s1 =	rddreg [dreg:$0xe];
	[sflag:s17] =	ssyncadd.s32 $0xFFFFFE00  }
0x39: {  	[tilespmem:s8], [sflag:$0x2] =	stream.indirect.gather [hbm4b:s1+s14], $0x20, s16, s14, $0xb8;
	[tilespmem:$0x10800] =	vst v63  }
0x3a: {  	_ =	swait.ge [sflag:s9], $0x4000  }
0x3b: {  	[sflag:s9] =	ssyncset.done $0x0  }
0x3c: {  	[sflag:s9] =	ssyncadd.s32 $0xFFFFC000  }
0x3d: {  	[hbm4b:s7+s10] =	stream.strided.scatter [tilespmem:s15], [sflag:$0x3], $0x4000, s13, s10, $0x38;
	[tilespmem:$0x10800] =	vst v63  }
0x3e: {  	_ =	swait.ge [sflag:s9], $0x4000  }
0x3f: {  	[sflag:s9] =	ssyncset.done $0x0  }
0x40: {  	[sflag:s9] =	ssyncadd.s32 $0xFFFFC000  }
0x41: {  	[hbm4b:s6+s10] =	stream.strided.scatter [tilespmem:s11], [sflag:$0x3], $0x4000, s13, s10, $0x38;
	[tilespmem:$0x10800] =	vst v63  }
0x42: {  	_ =	swait.ge [sflag:s9], $0x4000  }
0x43: {  	[sflag:s9] =	ssyncset.done $0x0  }
0x44: {  	[sflag:s9] =	ssyncadd.s32 $0xFFFFC000  }
0x45: {  	[hbm4b:s5+s10] =	stream.strided.scatter [tilespmem:s12], [sflag:$0x3], $0x4000, s13, s10, $0x38;
	[tilespmem:$0x10800] =	vst v63  }
0x46: {  	_ =	swait.ge [sflag:s9], $0x4000  }
0x47: {  	[sflag:s9] =	ssyncset.done $0x0  }
0x48: {  	[sflag:s9] =	ssyncadd.s32 $0xFFFFC000  }
0x49: {  	[hbm4b:s4+s10] =	stream.strided.scatter [tilespmem:s8], [sflag:$0x3], $0x4000, s13, s10, $0x38;
	[tilespmem:$0x10800] =	vst v63  }
0x4a: {  	_ =	swait.ge [sflag:s3], $0x40  }
0x4b: {  	[sflag:s3] =	ssyncset.done $0x0  }
0x4c: {  	[sflag:s3] =	ssyncadd.s32 $0xFFFFFFC0  }
0x4d: {  	_ =	swait.ge [sflag:s3], $0x40  }
0x4e: {  	[sflag:s3] =	ssyncset.done $0x0  }
0x4f: {  	[sflag:s3] =	ssyncadd.s32 $0xFFFFFFC0  }
0x50: {  	_ =	swait.ge [sflag:s3], $0x40  }
0x51: {  	[sflag:s3] =	ssyncset.done $0x0  }
0x52: {  	[sflag:s3] =	ssyncadd.s32 $0xFFFFFFC0  }
0x53: {  	_ =	swait.ge [sflag:s3], $0x40  }
0x54: {  	[sflag:s3] =	ssyncset.done $0x0  }
0x55: {  	[sflag:s3] =	ssyncadd.s32 $0xFFFFFFC0  }
0x56: {  	_ =	swait.ge [sflag:s3], $0x4000  }
0x57: {  	[sflag:s3] =	ssyncset.done $0x0  }
0x58: {  	[sflag:s3] =	ssyncadd.s32 $0xFFFFC000  }
0x59: {  	_ =	swait.ge [sflag:s3], $0x4000  }
0x5a: {  	[sflag:s3] =	ssyncset.done $0x0  }
0x5b: {  	p1 =	sne.s32 s0, $0x1;
	[sflag:s3] =	ssyncadd.s32 $0xFFFFC000  }
.Ltmp1:
0x5c: {  	_ =	swait.ge [sflag:s3], $0x4000;
	(pc) =	sbr.rel @!p1 .LBB2_3-.Ltmp1, $4  }
0x5d: {  	[sflag:s3] =	ssyncset.done $0x0  }
0x5e: {  	[sflag:s3] =	ssyncadd.s32 $0xFFFFC000  }
0x5f: {  	s0 =	sadd.s32 $0xFFFFFFFF, s0;
	_ =	swait.ge [sflag:s3], $0x4000  }
0x60: {  	p0 =	por $0x1, $0x1;
	s1 =	rddreg [dreg:$0xf];
	[sflag:s3] =	ssyncset.done $0x0  }
.LBB2_2:
0x61: {  	[sflag:s3] =	ssyncadd.s32 $0xFFFFC000  }
0x62: {  	[tilespmem:s2], [sflag:$0x1] =	stream.linear.gather [hbm4b:s1+s2], $0x200, $0x38;
	[tilespmem:$0x10800] =	vst v63  }
0x63: {  	_ = 	snop  }
0x64: {  	[tilespmem:s14], [sflag:$0x1] =	stream.linear.gather [hbm4b:s19+s2], $0x200, $0x38;
	[tilespmem:$0x10800] =	vst v63  }
0x65: {  	_ = 	snop  }
0x66: {  	[tilespmem:s18], [sflag:$0x1] =	stream.linear.gather [hbm4b:s20+s2], $0x200, $0x38;
	[tilespmem:$0x10800] =	vst v63  }
0x67: {  	_ = 	snop  }
0x68: {  	[tilespmem:s16], [sflag:$0x1] =	stream.linear.gather [hbm4b:s21+s2], $0x200, $0x38;
	[tilespmem:$0x10800] =	vst v63  }
0x69: {  	[hbm:s23], [sflag:s22] =	dma.local [hbm:s24], $0x40  }
0x6a: {  	[hbm:s25], [sflag:s22] =	dma.local [hbm:s26], $0x40  }
0x6b: {  	[hbm:s28], [sflag:s22] =	dma.local [hbm:s29], $0x40  }
0x6c: {  	[hbm:s30], [sflag:s22] =	dma.local [hbm:s31], $0x40  }
0x6d: {  	_ =	swait.ge [sflag:s17], $0x200  }
0x6e: {  	[sflag:s17] =	ssyncset.done $0x0  }
0x6f: {  	s1 =	rddreg [dreg:$0xb];
	[sflag:s17] =	ssyncadd.s32 $0xFFFFFE00  }
0x70: {  	[tilespmem:s15], [sflag:$0x2] =	stream.indirect.gather [hbm4b:s1+s14], $0x20, s2, s14, $0xb8;
	[tilespmem:$0x10800] =	vst v63  }
0x71: {  	_ =	swait.ge [sflag:s17], $0x200  }
0x72: {  	[sflag:s17] =	ssyncset.done $0x0  }
0x73: {  	s1 =	rddreg [dreg:$0xc];
	[sflag:s17] =	ssyncadd.s32 $0xFFFFFE00  }
0x74: {  	[tilespmem:s11], [sflag:$0x2] =	stream.indirect.gather [hbm4b:s1+s14], $0x20, s14, s14, $0xb8;
	[tilespmem:$0x10800] =	vst v63  }
0x75: {  	_ =	swait.ge [sflag:s17], $0x200  }
0x76: {  	[sflag:s17] =	ssyncset.done $0x0  }
0x77: {  	s1 =	rddreg [dreg:$0xd];
	[sflag:s17] =	ssyncadd.s32 $0xFFFFFE00  }
0x78: {  	[tilespmem:s12], [sflag:$0x2] =	stream.indirect.gather [hbm4b:s1+s14], $0x20, s18, s14, $0xb8;
	[tilespmem:$0x10800] =	vst v63  }
0x79: {  	_ =	swait.ge [sflag:s17], $0x200  }
0x7a: {  	[sflag:s17] =	ssyncset.done $0x0  }
0x7b: {  	s1 =	rddreg [dreg:$0xe];
	[sflag:s17] =	ssyncadd.s32 $0xFFFFFE00  }
0x7c: {  	[tilespmem:s8], [sflag:$0x2] =	stream.indirect.gather [hbm4b:s1+s14], $0x20, s16, s14, $0xb8;
	[tilespmem:$0x10800] =	vst v63  }
0x7d: {  	_ =	swait.ge [sflag:s9], $0x4000  }
0x7e: {  	[sflag:s9] =	ssyncset.done $0x0  }
0x7f: {  	[sflag:s9] =	ssyncadd.s32 $0xFFFFC000  }
0x80: {  	[hbm4b:s7+s10] =	stream.strided.scatter [tilespmem:s15], [sflag:$0x3], $0x4000, s13, s10, $0x38;
	[tilespmem:$0x10800] =	vst v63  }
0x81: {  	_ =	swait.ge [sflag:s9], $0x4000  }
0x82: {  	[sflag:s9] =	ssyncset.done $0x0  }
0x83: {  	[sflag:s9] =	ssyncadd.s32 $0xFFFFC000  }
0x84: {  	[hbm4b:s6+s10] =	stream.strided.scatter [tilespmem:s11], [sflag:$0x3], $0x4000, s13, s10, $0x38;
	[tilespmem:$0x10800] =	vst v63  }
0x85: {  	_ =	swait.ge [sflag:s9], $0x4000  }
0x86: {  	[sflag:s9] =	ssyncset.done $0x0  }
0x87: {  	[sflag:s9] =	ssyncadd.s32 $0xFFFFC000  }
0x88: {  	[hbm4b:s5+s10] =	stream.strided.scatter [tilespmem:s12], [sflag:$0x3], $0x4000, s13, s10, $0x38;
	[tilespmem:$0x10800] =	vst v63  }
0x89: {  	_ =	swait.ge [sflag:s9], $0x4000  }
0x8a: {  	[sflag:s9] =	ssyncset.done $0x0  }
0x8b: {  	[sflag:s9] =	ssyncadd.s32 $0xFFFFC000  }
0x8c: {  	[hbm4b:s4+s10] =	stream.strided.scatter [tilespmem:s8], [sflag:$0x3], $0x4000, s13, s10, $0x38;
	[tilespmem:$0x10800] =	vst v63  }
0x8d: {  	_ =	swait.ge [sflag:s3], $0x40  }
0x8e: {  	[sflag:s3] =	ssyncset.done $0x0  }
0x8f: {  	[sflag:s3] =	ssyncadd.s32 $0xFFFFFFC0  }
0x90: {  	_ =	swait.ge [sflag:s3], $0x40  }
0x91: {  	[sflag:s3] =	ssyncset.done $0x0  }
0x92: {  	[sflag:s3] =	ssyncadd.s32 $0xFFFFFFC0  }
0x93: {  	_ =	swait.ge [sflag:s3], $0x40  }
0x94: {  	[sflag:s3] =	ssyncset.done $0x0  }
0x95: {  	[sflag:s3] =	ssyncadd.s32 $0xFFFFFFC0  }
0x96: {  	_ =	swait.ge [sflag:s3], $0x40  }
0x97: {  	[sflag:s3] =	ssyncset.done $0x0  }
0x98: {  	[sflag:s3] =	ssyncadd.s32 $0xFFFFFFC0  }
0x99: {  	_ =	swait.ge [sflag:s3], $0x4000  }
0x9a: {  	[sflag:s3] =	ssyncset.done $0x0  }
0x9b: {  	[sflag:s3] =	ssyncadd.s32 $0xFFFFC000  }
0x9c: {  	_ =	swait.ge [sflag:s3], $0x4000  }
0x9d: {  	[sflag:s3] =	ssyncset.done $0x0  }
0x9e: {  	p1 =	sne.s32 s0, $0x1;
	[sflag:s3] =	ssyncadd.s32 $0xFFFFC000  }
.Ltmp2:
0x9f: {  	_ =	swait.ge [sflag:s3], $0x4000;
	(pc) =	sbr.rel @p1 .LBB2_2-.Ltmp2, $4  }
0xa0: {  	[sflag:s3] =	ssyncset.done $0x0  }
0xa1: {  	[sflag:s3] =	ssyncadd.s32 $0xFFFFC000  }
0xa2: {  	_ =	swait.ge [sflag:s3], $0x4000  }
0xa3: {  	s0 =	sadd.s32 $0xFFFFFFFF, s0;
	s1 =	rddreg [dreg:$0xf];
	[sflag:s3] =	ssyncset.done $0x0  }
.LBB2_3:
0xa4: {  	[sflag:s3] =	ssyncadd.s32 @p0 $0xFFFFC000  }
0xa5: {  	[tilespmem:s2], [sflag:$0x1] =	stream.linear.gather [hbm4b:s1+s2], $0x200, $0x38;
	[tilespmem:$0x10800] =	vst v63  }
0xa6: {  	_ = 	snop  }
0xa7: {  	[tilespmem:s14], [sflag:$0x1] =	stream.linear.gather [hbm4b:s19+s2], $0x200, $0x38;
	[tilespmem:$0x10800] =	vst v63  }
0xa8: {  	_ = 	snop  }
0xa9: {  	[tilespmem:s18], [sflag:$0x1] =	stream.linear.gather [hbm4b:s20+s2], $0x200, $0x38;
	[tilespmem:$0x10800] =	vst v63  }
0xaa: {  	_ = 	snop  }
0xab: {  	[tilespmem:s16], [sflag:$0x1] =	stream.linear.gather [hbm4b:s21+s2], $0x200, $0x38;
	[tilespmem:$0x10800] =	vst v63  }
0xac: {  	[hbm:s23], [sflag:s22] =	dma.local [hbm:s24], $0x40  }
0xad: {  	[hbm:s25], [sflag:s22] =	dma.local [hbm:s26], $0x40  }
0xae: {  	[hbm:s28], [sflag:s22] =	dma.local [hbm:s29], $0x40  }
0xaf: {  	[hbm:s30], [sflag:s22] =	dma.local [hbm:s31], $0x40  }
0xb0: {  	_ =	swait.ge [sflag:s17], $0x200  }
0xb1: {  	[sflag:s17] =	ssyncset.done $0x0  }
0xb2: {  	s0 =	rddreg [dreg:$0xb];
	[sflag:s17] =	ssyncadd.s32 $0xFFFFFE00  }
0xb3: {  	[tilespmem:s15], [sflag:$0x2] =	stream.indirect.gather [hbm4b:s0+s14], $0x20, s2, s14, $0xb8;
	[tilespmem:$0x10800] =	vst v63  }
0xb4: {  	_ =	swait.ge [sflag:s17], $0x200  }
0xb5: {  	[sflag:s17] =	ssyncset.done $0x0  }
0xb6: {  	s28 =	rddreg [dreg:$0xc];
	[sflag:s17] =	ssyncadd.s32 $0xFFFFFE00  }
0xb7: {  	[tilespmem:s11], [sflag:$0x2] =	stream.indirect.gather [hbm4b:s28+s14], $0x20, s14, s14, $0xb8;
	[tilespmem:$0x10800] =	vst v63  }
0xb8: {  	_ =	swait.ge [sflag:s17], $0x200  }
0xb9: {  	[sflag:s17] =	ssyncset.done $0x0  }
0xba: {  	s29 =	rddreg [dreg:$0xd];
	[sflag:s17] =	ssyncadd.s32 $0xFFFFFE00  }
0xbb: {  	[tilespmem:s12], [sflag:$0x2] =	stream.indirect.gather [hbm4b:s29+s14], $0x20, s18, s14, $0xb8;
	[tilespmem:$0x10800] =	vst v63  }
0xbc: {  	_ =	swait.ge [sflag:s17], $0x200  }
0xbd: {  	[sflag:s17] =	ssyncset.done $0x0  }
0xbe: {  	s30 =	rddreg [dreg:$0xe];
	[sflag:s17] =	ssyncadd.s32 $0xFFFFFE00  }
0xbf: {  	[tilespmem:s8], [sflag:$0x2] =	stream.indirect.gather [hbm4b:s30+s14], $0x20, s16, s14, $0xb8;
	[tilespmem:$0x10800] =	vst v63  }
0xc0: {  	_ =	swait.ge [sflag:s9], $0x4000  }
0xc1: {  	[sflag:s9] =	ssyncset.done $0x0  }
0xc2: {  	[sflag:s9] =	ssyncadd.s32 $0xFFFFC000  }
0xc3: {  	[hbm4b:s7+s10] =	stream.strided.scatter [tilespmem:s15], [sflag:$0x3], $0x4000, s13, s10, $0x38;
	[tilespmem:$0x10800] =	vst v63  }
0xc4: {  	_ =	swait.ge [sflag:s9], $0x4000  }
0xc5: {  	[sflag:s9] =	ssyncset.done $0x0  }
0xc6: {  	[sflag:s9] =	ssyncadd.s32 $0xFFFFC000  }
0xc7: {  	[hbm4b:s6+s10] =	stream.strided.scatter [tilespmem:s11], [sflag:$0x3], $0x4000, s13, s10, $0x38;
	[tilespmem:$0x10800] =	vst v63  }
0xc8: {  	_ =	swait.ge [sflag:s9], $0x4000  }
0xc9: {  	[sflag:s9] =	ssyncset.done $0x0  }
0xca: {  	[sflag:s9] =	ssyncadd.s32 $0xFFFFC000  }
0xcb: {  	[hbm4b:s5+s10] =	stream.strided.scatter [tilespmem:s12], [sflag:$0x3], $0x4000, s13, s10, $0x38;
	[tilespmem:$0x10800] =	vst v63  }
0xcc: {  	_ =	swait.ge [sflag:s9], $0x4000  }
0xcd: {  	[sflag:s9] =	ssyncset.done $0x0  }
0xce: {  	[sflag:s9] =	ssyncadd.s32 $0xFFFFC000  }
0xcf: {  	[hbm4b:s4+s10] =	stream.strided.scatter [tilespmem:s8], [sflag:$0x3], $0x4000, s13, s10, $0x38;
	[tilespmem:$0x10800] =	vst v63  }
0xd0: {  	_ =	swait.ge [sflag:s3], $0x40  }
0xd1: {  	[sflag:s3] =	ssyncset.done $0x0  }
0xd2: {  	[sflag:s3] =	ssyncadd.s32 $0xFFFFFFC0  }
0xd3: {  	_ =	swait.ge [sflag:s3], $0x40  }
0xd4: {  	[sflag:s3] =	ssyncset.done $0x0  }
0xd5: {  	[sflag:s3] =	ssyncadd.s32 $0xFFFFFFC0  }
0xd6: {  	_ =	swait.ge [sflag:s3], $0x40  }
0xd7: {  	[sflag:s3] =	ssyncset.done $0x0  }
0xd8: {  	[sflag:s3] =	ssyncadd.s32 $0xFFFFFFC0  }
0xd9: {  	_ =	swait.ge [sflag:s3], $0x40  }
0xda: {  	[sflag:s3] =	ssyncset.done $0x0  }
0xdb: {  	[sflag:s3] =	ssyncadd.s32 $0xFFFFFFC0  }
0xdc: {  	_ =	swait.ge [sflag:s3], $0x4000  }
0xdd: {  	[sflag:s3] =	ssyncset.done $0x0  }
0xde: {  	[sflag:s3] =	ssyncadd.s32 $0xFFFFC000  }
0xdf: {  	_ =	swait.ge [sflag:s3], $0x4000  }
0xe0: {  	[sflag:s3] =	ssyncset.done $0x0  }
0xe1: {  	[sflag:s3] =	ssyncadd.s32 $0xFFFFC000  }
0xe2: {  	_ =	swait.ge [sflag:s3], $0x4000  }
0xe3: {  	[sflag:s3] =	ssyncset.done $0x0  }
0xe4: {  	[sflag:s3] =	ssyncadd.s32 $0xFFFFC000  }
0xe5: {  	_ =	swait.ge [sflag:s3], $0x4000  }
0xe6: {  	[sflag:s3] =	ssyncset.done $0x0  }
0xe7: {  	[sflag:s3] =	ssyncadd.s32 $0xFFFFC000  }
0xe8: {  	_ =	sfence.sel $0x180000  }
0xe9: {  	[bflag:$0x0] =	sbarrier.arrive $0xFFFF  }
0xea: {  	_ =	strace $0x90000047  }
0xeb: {  	s31 =	stileid.u32;
	[bflag:$0x2] =	sbarrier.arrive $0xFFFF  }
0xec: {  	p0 =	sne.s32 s31, $0x0;
	s0 =	rddreg [dreg:$0xa]  }
0xed: {  	s0 =	sadd.s32 @!p0 $0x100000, s0  }
0xee: {  	[sflag:s0] =	ssyncadd.tile.s32 @!p0 $0x1;
	_ =	shalt  }
.Lfunc_end2:
_tile_overlayer_lowered:
.L_overlay_start_2:
0xef: {  	(tag) =	ssettag $0x2  }
0xf0: {  	s0 =	rddreg [dreg:$0x0];
	s2 =	stileid.u32  }
0xf1: {  	s1 =	rddreg [dreg:$0x1];
	p0 =	sne.s32 s2, $0x0  }
0xf2: {  	s3 =	rddreg [dreg:$0x2];
	[bflag:$0x3] =	sbarrier.arrive $0xFFFF;
	s2 =	simm.s32 @!p0 $0x1C04  }
0xf3: {  	[timem:s3], [sflag:s2] =	dma.local @!p0 [hbm:s0], s1  }
0xf4: {  	s0 =	simm.s32 @!p0 $0x4  }
0xf5: {  	_ =	swait.ge @!p0 [sflag:s0], s1  }
0xf6: {  	s1 =	ssub.s32 @!p0 $0x0, s1;
	[sflag:s0] =	ssyncset.done @!p0 $0x0  }
0xf7: {  	[sflag:s0] =	ssyncadd.s32 @!p0 s1  }
0xf8: {  	[bflag:$0x3] =	sbarrier.arrive $0xFFFF  }
0xf9: {  	_ =	shalt  }

</sc_bundles>
